<compile_context>
chip_gen: v7x
topology: tpu7x:2x2x1
jax: 0.10.2.dev20260603
libtpu: 0.0.44.dev20260713+nightly
codegen_flags: <defaults>
</compile_context>

<pallas_src>
import functools

import jax
import jax.numpy as jnp
from jax import lax
from jax.experimental import pallas as pl
from jax.experimental.pallas import tpu as pltpu
from jax.experimental.pallas import tpu_sc as plsc

N = 10000
D = 128
HID = 16
E = 320000

_ROWS = E // 128
_ROWS_PER_W = 160
_EP = 16 * _ROWS_PER_W * 128
_NPAD = 10240
_NH = _NPAD // 2
_ACC = _NPAD * 9
_ACCH = _ACC // 2 + 16
_CHUNKS = _ROWS_PER_W // 2


def _lane_bcast(v, lane):
    idx = jnp.full((16, 1), lane, dtype=jnp.int32)
    return lax.gather(
        v, idx,
        lax.GatherDimensionNumbers(
            offset_dims=(), collapsed_slice_dims=(0,), start_index_map=(0,)),
        (1,), mode=lax.GatherScatterMode.PROMISE_IN_BOUNDS)


def _lane_bcast_i32(v, lane):
    idx = jnp.full((16, 1), lane, dtype=jnp.int32)
    return lax.gather(
        v, idx,
        lax.GatherDimensionNumbers(
            offset_dims=(), collapsed_slice_dims=(0,), start_index_map=(0,)),
        (1,), mode=lax.GatherScatterMode.PROMISE_IN_BOUNDS)


def _edge_body(h_hbm, ap_hbm, src_hbm, dst_hbm, num_out,
               as_h, ad_h, src_c, dst_c, rows, accA, accB, gsem):
    c = lax.axis_index("c")
    s = lax.axis_index("s")

    pltpu.sync_copy(ap_hbm.at[c], as_h)
    pltpu.sync_copy(ap_hbm.at[2 + c], ad_h)

    zero16 = jnp.zeros((16,), jnp.float32)

    def _z1(i, carry):
        accA[pl.ds(i * 16, 16)] = zero16
        accB[pl.ds(i * 16, 16)] = zero16
        return carry
    lax.fori_loop(0, _ACCH // 16, _z1, 0)

    iota16 = lax.broadcasted_iota(jnp.int32, (16,), 0)
    h8 = c * 8
    ownhalf = (iota16 >= h8) & (iota16 < h8 + 8)
    extra = iota16 == 8 * (1 - c)
    scatmask = ownhalf | extra
    offvec = jnp.where(ownhalf, iota16 - h8, 8)
    dummy_addr = (_ACCH - 16) + iota16

    def _chunk(k, carry):
        base = s * _ROWS_PER_W + k * 2
        pltpu.sync_copy(src_hbm.at[pl.ds(base, 2)], src_c)
        pltpu.sync_copy(dst_hbm.at[pl.ds(base, 2)], dst_c)
        descs = [
            pltpu.async_copy(h_hbm.at[src_c.at[j]],
                             rows.at[pl.ds(j * 128, 128)], gsem)
            for j in range(2)
        ]
        for j in range(2):
            validv = jnp.full((16,), base + j < _ROWS)
            descs[j].wait()
            for l in range(8):
                g = j * 8 + l
                srcv = src_c[j, pl.ds(l * 16, 16)]
                dstv = dst_c[j, pl.ds(l * 16, 16)]
                sa = plsc.load_gather(as_h, [srcv])
                da = plsc.load_gather(ad_h, [dstv])
                a0 = sa + da
                a0 = jnp.where(a0 >= 0.0, a0, a0 * 0.2)
                exv = jnp.where(validv, jnp.exp(a0), 0.0)
                dstf = plsc.bitcast(dstv, jnp.float32)
                for lane in range(0):
                    exb = _lane_bcast(exv, lane)
                    dstb = plsc.bitcast(_lane_bcast(dstf, lane), jnp.int32)
                    row = rows[g * 16 + lane, :]
                    val = jnp.where(ownhalf, row * exb, exb)
                    val = jnp.where(scatmask, val, 0.0)
                    inA = dstb < _NH
                    valA = jnp.where(inA, val, 0.0)
                    valB = jnp.where(inA, jnp.zeros((16,), jnp.float32),
                                     val)
                    base_addr = dstb * 9 + offvec
                    addrA = jnp.where(inA & scatmask, base_addr,
                                      dummy_addr)
                    addrB = jnp.where(inA | (~scatmask),
                                      dummy_addr,
                                      base_addr - (_NH * 9))
                    curA = plsc.load_gather(accA, [addrA])
                    plsc.store_scatter(accA, [addrA], curA + valA)
                    curB = plsc.load_gather(accB, [addrB])
                    plsc.store_scatter(accB, [addrB], curB + valB)
        return carry

    lax.fori_loop(0, _CHUNKS, _chunk, 0)

    pltpu.sync_copy(accA, num_out.at[c, s, 0])
    pltpu.sync_copy(accB, num_out.at[c, s, 1])


@functools.lru_cache(maxsize=None)
def _edge_kernel():
    mesh = plsc.VectorSubcoreMesh(core_axis_name="c", subcore_axis_name="s")
    return pl.kernel(
        _edge_body,
        out_type=jax.ShapeDtypeStruct((2, 16, 2, _ACCH), jnp.float32),
        mesh=mesh,
        compiler_params=pltpu.CompilerParams(
            needs_layout_passes=False, use_tc_tiling_on_sc=False),
        scratch_types=[
            pltpu.VMEM((N,), jnp.float32),
            pltpu.VMEM((N,), jnp.float32),
            pltpu.VMEM((2, 128), jnp.int32),
            pltpu.VMEM((2, 128), jnp.int32),
            pltpu.VMEM((256, HID), jnp.float32),
            pltpu.VMEM((_ACCH,), jnp.float32),
            pltpu.VMEM((_ACCH,), jnp.float32),
            pltpu.SemaphoreType.DMA,
        ],
    )


def _pre_body(x_ref, w1_ref, a1_ref, rw_ref, rb_ref, h_ref, ap_ref, res_ref):
    x = x_ref[...]
    h = jnp.dot(x, w1_ref[...], preferred_element_type=jnp.float32)
    h_ref[...] = h
    ap_ref[...] = lax.dot_general(
        a1_ref[...], h, (((0,), (1,)), ((), ())),
        preferred_element_type=jnp.float32)
    res_ref[...] = (
        jnp.dot(x, rw_ref[...], preferred_element_type=jnp.float32)
        + rb_ref[...])


_pre_call = pl.pallas_call(
    _pre_body,
    out_shape=(
        jax.ShapeDtypeStruct((N, HID), jnp.float32),
        jax.ShapeDtypeStruct((4, N), jnp.float32),
        jax.ShapeDtypeStruct((N, HID), jnp.float32),
    ),
)


def _redu_body(p_ref, o_ref):
    acc = p_ref[:, 0]
    for t in range(1, 16):
        acc = acc + p_ref[:, t]
    o_ref[...] = acc


_redu_call = pl.pallas_call(
    _redu_body,
    out_shape=jax.ShapeDtypeStruct((2, _ACC // 128, 128), jnp.float32),
)


def _gat_finish(num_ref, b_ref):
    halves = []
    for h in range(2):
        acc = num_ref[h, :N]
        halves.append(acc[:, 0:8] / (acc[:, 8:9] + 1e-16))
    return jax.nn.relu(jnp.concatenate(halves, axis=1) + b_ref[...])


def _chan_att(h, w1p_ref, b1p_ref, w2p_ref, b2p_ref):
    sm = jnp.mean(h, axis=0, keepdims=True)
    a = jax.nn.relu(
        jnp.dot(sm, w1p_ref[...], preferred_element_type=jnp.float32)
        + b1p_ref[...])
    a = jax.nn.sigmoid(
        jnp.dot(a, w2p_ref[...], preferred_element_type=jnp.float32)
        + b2p_ref[...])
    return h * a


def _mid_body(num_ref, b1_ref, w1p_ref, b1p_ref,
              w2p_ref, b2p_ref, W2_ref, a2_ref, h2_ref, ap2_ref):
    h = _gat_finish(num_ref, b1_ref)
    hc = _chan_att(h, w1p_ref, b1p_ref, w2p_ref, b2p_ref)
    h2 = jnp.dot(hc, W2_ref[...], preferred_element_type=jnp.float32)
    h2_ref[...] = h2
    ap2_ref[...] = lax.dot_general(
        a2_ref[...], h2, (((0,), (1,)), ((), ())),
        preferred_element_type=jnp.float32)


_mid_call = pl.pallas_call(
    _mid_body,
    out_shape=(
        jax.ShapeDtypeStruct((N, HID), jnp.float32),
        jax.ShapeDtypeStruct((4, N), jnp.float32),
    ),
)


def _fin_body(num_ref, b2_ref, w1p_ref, b1p_ref,
              w2p_ref, b2p_ref, res_ref, fcw_ref, fcb_ref, o_ref):
    h = _gat_finish(num_ref, b2_ref)
    hf = _chan_att(h, w1p_ref, b1p_ref, w2p_ref, b2p_ref)
    o_ref[...] = jax.nn.sigmoid(
        jnp.dot(hf + res_ref[...], fcw_ref[...],
                preferred_element_type=jnp.float32)
        + fcb_ref[...])


_fin_call = pl.pallas_call(
    _fin_body,
    out_shape=jax.ShapeDtypeStruct((N, HID), jnp.float32),
)


def _amat(asrc, adst):
    A = jnp.zeros((16, 4), jnp.float32)
    A = A.at[0:8, 0].set(asrc[0]).at[8:16, 1].set(asrc[1])
    A = A.at[0:8, 2].set(adst[0]).at[8:16, 3].set(adst[1])
    return A


def _pad_ca(w1, b1, w2, b2):
    w1p = jnp.zeros((16, 16), jnp.float32).at[:, 0:4].set(w1)
    b1p = jnp.zeros((1, 16), jnp.float32).at[0, 0:4].set(b1)
    w2p = jnp.zeros((16, 16), jnp.float32).at[0:4, :].set(w2)
    b2p = jnp.zeros((1, 16), jnp.float32).at[0, :].set(b2)
    return w1p, b1p, w2p, b2p


def kernel(x, edge_index, W1, att_src1, att_dst1, b1, W2, att_src2,
           att_dst2, b2, ca1_w1, ca1_b1, ca1_w2, ca1_b2, ca2_w1, ca2_b1,
           ca2_w2, ca2_b2, res_W, res_b, fc_W, fc_b):
    f32 = jnp.float32
    pad = jnp.zeros((_EP - E,), jnp.int32)
    src2d = jnp.concatenate([edge_index[0], pad]).reshape(_EP // 128, 128)
    dst2d = jnp.concatenate([edge_index[1], pad]).reshape(_EP // 128, 128)

    A1 = _amat(att_src1, att_dst1)
    A2 = _amat(att_src2, att_dst2)
    ca1 = _pad_ca(ca1_w1, ca1_b1, ca1_w2, ca1_b2)
    ca2 = _pad_ca(ca2_w1, ca2_b1, ca2_w2, ca2_b2)
    fcwp = jnp.zeros((16, 16), f32).at[:, 0:1].set(fc_W)
    fcbp = jnp.zeros((1, 16), f32).at[0, 0].set(fc_b[0])
    b1r = b1.reshape(1, HID)
    b2r = b2.reshape(1, HID)
    rbr = res_b.reshape(1, HID)

    edge = _edge_kernel()
    h1, ap1, res = _pre_call(x, W1, A1, res_W, rbr)
    def _aggregate(h_nodes, ap_nodes):
        parts = edge(h_nodes, ap_nodes, src2d, dst2d)
        parts = parts[..., :_ACC // 2].reshape(2, 16, _ACC // 128, 128)
        summed = _redu_call(parts)
        return summed.reshape(2, _NPAD, 9)

    num1 = _aggregate(h1, ap1)
    h2, ap2 = _mid_call(num1, b1r, *ca1, W2, A2)
    num2 = _aggregate(h2, ap2)
    o = _fin_call(num2, b2r, *ca2, res, fcwp, fcbp)
    return o[:, 0:1]

# --- scband reference (transcript-rebuilt; emitter-appended) ---
"""Pipeline reference for scband-residual-gat-2430951489651 (READ-ONLY COPY).

The authoritative reference and input builder live on the scoring server;
editing this copy changes nothing except your own understanding.
"""

import jax, jax.numpy as jnp
import numpy as np

N = 10000
E = 320000
D = 128
HEADS = 2
OUT = 8
HID = HEADS * OUT  # 16


def gat_conv(x, edge_index, W, att_src, att_dst, bias):
    n = x.shape[0]
    h = (x @ W).reshape(n, HEADS, OUT)
    a_src = (h * att_src[None]).sum(-1)  # [n, heads]
    a_dst = (h * att_dst[None]).sum(-1)
    src = edge_index[0]
    dst = edge_index[1]
    alpha = jax.nn.leaky_relu(a_src[src] + a_dst[dst], 0.2)  # [E, heads]
    amax = jax.ops.segment_max(alpha, dst, num_segments=n)
    amax = jnp.where(jnp.isfinite(amax), amax, 0.0)
    ex = jnp.exp(alpha - amax[dst])
    denom = jax.ops.segment_sum(ex, dst, num_segments=n)
    coef = ex / (denom[dst] + 1e-16)
    out = jax.ops.segment_sum(h[src] * coef[:, :, None], dst, num_segments=n)
    return out.reshape(n, HEADS * OUT) + bias


def chan_att(x, w1, b1, w2, b2):
    s = jnp.mean(x, axis=0)
    a = jax.nn.relu(s @ w1 + b1)
    a = jax.nn.sigmoid(a @ w2 + b2)
    return x * a[None, :]


def setup_inputs(seed: int = 0):
    key = jax.random.key(seed)
    ks = jax.random.split(key, 24)
    x = jax.random.normal(ks[0], (N, D), dtype=jnp.float32)
    edge_index = jax.random.randint(ks[1], (2, E), 0, N, dtype=jnp.int32)
    inp = {
        'x': x,
        'edge_index': edge_index,
        'W1': jax.random.normal(ks[2], (D, HID), dtype=jnp.float32) * 0.05,
        'att_src1': jax.random.normal(ks[3], (HEADS, OUT), dtype=jnp.float32) * 0.1,
        'att_dst1': jax.random.normal(ks[4], (HEADS, OUT), dtype=jnp.float32) * 0.1,
        'b1': jnp.zeros((HID,), dtype=jnp.float32),
        'W2': jax.random.normal(ks[5], (HID, HID), dtype=jnp.float32) * 0.1,
        'att_src2': jax.random.normal(ks[6], (HEADS, OUT), dtype=jnp.float32) * 0.1,
        'att_dst2': jax.random.normal(ks[7], (HEADS, OUT), dtype=jnp.float32) * 0.1,
        'b2': jnp.zeros((HID,), dtype=jnp.float32),
        'ca1_w1': jax.random.normal(ks[8], (HID, 4), dtype=jnp.float32) * 0.2,
        'ca1_b1': jnp.zeros((4,), dtype=jnp.float32),
        'ca1_w2': jax.random.normal(ks[9], (4, HID), dtype=jnp.float32) * 0.2,
        'ca1_b2': jnp.zeros((HID,), dtype=jnp.float32),
        'ca2_w1': jax.random.normal(ks[10], (HID, 4), dtype=jnp.float32) * 0.2,
        'ca2_b1': jnp.zeros((4,), dtype=jnp.float32),
        'ca2_w2': jax.random.normal(ks[11], (4, HID), dtype=jnp.float32) * 0.2,
        'ca2_b2': jnp.zeros((HID,), dtype=jnp.float32),
        'res_W': jax.random.normal(ks[12], (D, HID), dtype=jnp.float32) * 0.05,
        'res_b': jnp.zeros((HID,), dtype=jnp.float32),
        'fc_W': jax.random.normal(ks[13], (HID, 1), dtype=jnp.float32) * 0.2,
        'fc_b': jnp.zeros((1,), dtype=jnp.float32),
    }
    return inp


def reference(x, edge_index, W1, att_src1, att_dst1, b1, W2, att_src2, att_dst2, b2,
              ca1_w1, ca1_b1, ca1_w2, ca1_b2, ca2_w1, ca2_b1, ca2_w2, ca2_b2,
              res_W, res_b, fc_W, fc_b):
    residual = x
    h = jax.nn.relu(gat_conv(x, edge_index, W1, att_src1, att_dst1, b1))
    h = chan_att(h, ca1_w1, ca1_b1, ca1_w2, ca1_b2)
    h = jax.nn.relu(gat_conv(h, edge_index, W2, att_src2, att_dst2, b2))
    h = chan_att(h, ca2_w1, ca2_b1, ca2_w2, ca2_b2)
    res = residual @ res_W + res_b
    out = jax.nn.sigmoid((h + res) @ fc_W + fc_b)
    return out

if __name__ == "__main__":
    import jax
    _d = setup_inputs()
    print(jax.jit(kernel)(*tuple(_d.values())))

</pallas_src>

<mosaic_0001>
#map = affine_map<(d0, d1) -> (0, 0)>
#map1 = affine_map<(d0, d1) -> (0, 0, 0, 0)>
module attributes {stable_mosaic.version = 14 : i64} {
  func.func @_edge_body(%arg0: i32, %arg1: i32, %arg2: memref<10000x16xf32, #tpu.memory_space<hbm>>, %arg3: memref<4x10000xf32, #tpu.memory_space<hbm>>, %arg4: memref<2560x128xi32, #tpu.memory_space<hbm>>, %arg5: memref<2560x128xi32, #tpu.memory_space<hbm>>, %arg6: memref<2x16x2x46096xf32, #tpu.memory_space<hbm>>, %arg7: memref<10000xf32, #tpu.memory_space<vmem>>, %arg8: memref<10000xf32, #tpu.memory_space<vmem>>, %arg9: memref<2x128xi32, #tpu.memory_space<vmem>>, %arg10: memref<2x128xi32, #tpu.memory_space<vmem>>, %arg11: memref<256x16xf32, #tpu.memory_space<vmem>>, %arg12: memref<46096xf32, #tpu.memory_space<vmem>>, %arg13: memref<46096xf32, #tpu.memory_space<vmem>>, %arg14: memref<!tpu.dma_semaphore, #tpu.memory_space<semaphore_mem>>) attributes {dimension_semantics = [#tpu.dimension_semantics<core_parallel>, #tpu.dimension_semantics<subcore_parallel>], iteration_bounds = array<i64: 2, 16>, scalar_prefetch = 0 : i64, scratch_operands = 8 : i64, tpu.core_type = #tpu.core_type<sc_vector_subcore>, window_params = [{transform_indices = #map}, {transform_indices = #map}, {transform_indices = #map}, {transform_indices = #map}, {transform_indices = #map1}]} {
    "tpu.region"() ({
      %run_scoped3A_29 = tpu.sem_alloc : memref<!tpu.dma_semaphore, #tpu.memory_space<semaphore_mem>>
      %dma_start3A = arith.constant 0 : i32
      %dma_start3A_30 = tpu.memref_slice %arg3[%arg0, %dma_start3A] : memref<4x10000xf32, #tpu.memory_space<hbm>> -> memref<1x10000xf32, #tpu.memory_space<hbm>>
      %dma_start3A_31 = tpu.memref_squeeze %dma_start3A_30 : memref<1x10000xf32, #tpu.memory_space<hbm>> -> memref<10000xf32, #tpu.memory_space<hbm>>
      %dma_start3A_32 = arith.constant 0 : i32
      %dma_start3A_33 = tpu.memref_slice %arg3[%arg0, %dma_start3A_32] : memref<4x10000xf32, #tpu.memory_space<hbm>> -> memref<1x10000xf32, #tpu.memory_space<hbm>>
      %dma_start3A_34 = tpu.memref_squeeze %dma_start3A_33 : memref<1x10000xf32, #tpu.memory_space<hbm>> -> memref<10000xf32, #tpu.memory_space<hbm>>
      tpu.enqueue_dma source(%dma_start3A_34 : memref<10000xf32, #tpu.memory_space<hbm>>) target(%arg7 : memref<10000xf32, #tpu.memory_space<vmem>>) target_semaphore(%run_scoped3A_29 : memref<!tpu.dma_semaphore, #tpu.memory_space<semaphore_mem>>)
      %dma_wait3A = arith.constant 0 : i32
      %dma_wait3A_35 = tpu.memref_slice %arg3[%arg0, %dma_wait3A] : memref<4x10000xf32, #tpu.memory_space<hbm>> -> memref<1x10000xf32, #tpu.memory_space<hbm>>
      %dma_wait3A_36 = tpu.memref_squeeze %dma_wait3A_35 : memref<1x10000xf32, #tpu.memory_space<hbm>> -> memref<10000xf32, #tpu.memory_space<hbm>>
      %dma_wait3A_37 = arith.constant 0 : i32
      %dma_wait3A_38 = tpu.memref_slice %arg3[%arg0, %dma_wait3A_37] : memref<4x10000xf32, #tpu.memory_space<hbm>> -> memref<1x10000xf32, #tpu.memory_space<hbm>>
      %dma_wait3A_39 = tpu.memref_squeeze %dma_wait3A_38 : memref<1x10000xf32, #tpu.memory_space<hbm>> -> memref<10000xf32, #tpu.memory_space<hbm>>
      tpu.wait_dma2 semaphore(%run_scoped3A_29 : memref<!tpu.dma_semaphore, #tpu.memory_space<semaphore_mem>>) src(%dma_wait3A_39 : memref<10000xf32, #tpu.memory_space<hbm>>) dst(%arg7 : memref<10000xf32, #tpu.memory_space<vmem>>)
      tpu.yield
    }) : () -> ()
    %add3A = arith.constant 2 : i32
    %add3A_0 = arith.addi %add3A, %arg0 : i32
    "tpu.region"() ({
      %run_scoped3A_29 = tpu.sem_alloc : memref<!tpu.dma_semaphore, #tpu.memory_space<semaphore_mem>>
      %dma_start3A = arith.constant 0 : i32
      %dma_start3A_30 = tpu.memref_slice %arg3[%add3A_0, %dma_start3A] : memref<4x10000xf32, #tpu.memory_space<hbm>> -> memref<1x10000xf32, #tpu.memory_space<hbm>>
      %dma_start3A_31 = tpu.memref_squeeze %dma_start3A_30 : memref<1x10000xf32, #tpu.memory_space<hbm>> -> memref<10000xf32, #tpu.memory_space<hbm>>
      %dma_start3A_32 = arith.constant 0 : i32
      %dma_start3A_33 = tpu.memref_slice %arg3[%add3A_0, %dma_start3A_32] : memref<4x10000xf32, #tpu.memory_space<hbm>> -> memref<1x10000xf32, #tpu.memory_space<hbm>>
      %dma_start3A_34 = tpu.memref_squeeze %dma_start3A_33 : memref<1x10000xf32, #tpu.memory_space<hbm>> -> memref<10000xf32, #tpu.memory_space<hbm>>
      tpu.enqueue_dma source(%dma_start3A_34 : memref<10000xf32, #tpu.memory_space<hbm>>) target(%arg8 : memref<10000xf32, #tpu.memory_space<vmem>>) target_semaphore(%run_scoped3A_29 : memref<!tpu.dma_semaphore, #tpu.memory_space<semaphore_mem>>)
      %dma_wait3A = arith.constant 0 : i32
      %dma_wait3A_35 = tpu.memref_slice %arg3[%add3A_0, %dma_wait3A] : memref<4x10000xf32, #tpu.memory_space<hbm>> -> memref<1x10000xf32, #tpu.memory_space<hbm>>
      %dma_wait3A_36 = tpu.memref_squeeze %dma_wait3A_35 : memref<1x10000xf32, #tpu.memory_space<hbm>> -> memref<10000xf32, #tpu.memory_space<hbm>>
      %dma_wait3A_37 = arith.constant 0 : i32
      %dma_wait3A_38 = tpu.memref_slice %arg3[%add3A_0, %dma_wait3A_37] : memref<4x10000xf32, #tpu.memory_space<hbm>> -> memref<1x10000xf32, #tpu.memory_space<hbm>>
      %dma_wait3A_39 = tpu.memref_squeeze %dma_wait3A_38 : memref<1x10000xf32, #tpu.memory_space<hbm>> -> memref<10000xf32, #tpu.memory_space<hbm>>
      tpu.wait_dma2 semaphore(%run_scoped3A_29 : memref<!tpu.dma_semaphore, #tpu.memory_space<semaphore_mem>>) src(%dma_wait3A_39 : memref<10000xf32, #tpu.memory_space<hbm>>) dst(%arg8 : memref<10000xf32, #tpu.memory_space<vmem>>)
      tpu.yield
    }) : () -> ()
    %broadcast_in_dim3A = arith.constant 0.000000e+00 : f32
    %broadcast_in_dim3A_1 = vector.broadcast %broadcast_in_dim3A : f32 to vector<16xf32>
    %scan3A = arith.constant 0 : i32
    %scan3A_2 = arith.constant 0 : i32
    %scan3A_3 = arith.constant 2881 : i32
    %scan3A_4 = arith.addi %scan3A_2, %scan3A_3 : i32
    %scan3A_5 = arith.constant 1 : i32
    scf.for %scan3A_29 = %scan3A_2 to %scan3A_4 step %scan3A_5  : i32 {
      %mul3A_30 = arith.constant 16 : i32
      %mul3A_31 = arith.muli %scan3A_29, %mul3A_30 : i32
      %swap3A = arith.index_cast %mul3A_31 : i32 to index
      %swap3A_32 = tpu.vector_load %arg12[%swap3A] {strides = array<i32>} : memref<46096xf32, #tpu.memory_space<vmem>>, vector<16xf32>,
      tpu.vector_store %arg12[%swap3A], %broadcast_in_dim3A_1 {strides = array<i32>} : memref<46096xf32, #tpu.memory_space<vmem>>, vector<16xf32>,
      %mul3A_33 = arith.constant 16 : i32
      %mul3A_34 = arith.muli %scan3A_29, %mul3A_33 : i32
      %swap3A_35 = arith.index_cast %mul3A_34 : i32 to index
      %swap3A_36 = tpu.vector_load %arg13[%swap3A_35] {strides = array<i32>} : memref<46096xf32, #tpu.memory_space<vmem>>, vector<16xf32>,
      tpu.vector_store %arg13[%swap3A_35], %broadcast_in_dim3A_1 {strides = array<i32>} : memref<46096xf32, #tpu.memory_space<vmem>>, vector<16xf32>,
    }
    %scan3A_6 = arith.constant 2881 : i32
    %iota3A = tpu.iota {dimensions = array<i32: 0>} : vector<16xi32>
    %mul3A = arith.constant 8 : i32
    %mul3A_7 = arith.muli %arg0, %mul3A : i32
    %ge3A = vector.broadcast %mul3A_7 : i32 to vector<16xi32>
    %ge3A_8 = arith.cmpi sge, %iota3A, %ge3A : vector<16xi32>
    %add3A_9 = arith.constant 8 : i32
    %add3A_10 = arith.addi %mul3A_7, %add3A_9 : i32
    %lt3A = vector.broadcast %add3A_10 : i32 to vector<16xi32>
    %lt3A_11 = arith.cmpi slt, %iota3A, %lt3A : vector<16xi32>
    %and3A = arith.andi %ge3A_8, %lt3A_11 : vector<16xi1>
    %sub3A = arith.constant 1 : i32
    %sub3A_12 = arith.subi %sub3A, %arg0 : i32
    %mul3A_13 = arith.constant 8 : i32
    %mul3A_14 = arith.muli %mul3A_13, %sub3A_12 : i32
    %eq3A = vector.broadcast %mul3A_14 : i32 to vector<16xi32>
    %eq3A_15 = arith.cmpi eq, %iota3A, %eq3A : vector<16xi32>
    %or3A = arith.ori %and3A, %eq3A_15 : vector<16xi1>
    %sub3A_16 = vector.broadcast %mul3A_7 : i32 to vector<16xi32>
    %sub3A_17 = arith.subi %iota3A, %sub3A_16 : vector<16xi32>
    %jit3A = arith.constant 8 : i32
    %broadcast_in_dim3A_18 = vector.broadcast %jit3A : i32 to vector<16xi32>
    %select_n3A = arith.select %and3A, %sub3A_17, %broadcast_in_dim3A_18 : vector<16xi1>, vector<16xi32>
    %add3A_19 = arith.constant 46080 : i32
    %add3A_20 = vector.broadcast %add3A_19 : i32 to vector<16xi32>
    %add3A_21 = arith.addi %add3A_20, %iota3A : vector<16xi32>
    %scan3A_22 = arith.constant 0 : i32
    %scan3A_23 = arith.constant 0 : i32
    %scan3A_24 = arith.constant 80 : i32
    %scan3A_25 = arith.addi %scan3A_23, %scan3A_24 : i32
    %scan3A_26 = arith.constant 1 : i32
    scf.for %scan3A_29 = %scan3A_23 to %scan3A_25 step %scan3A_26  : i32 {
      %mul3A_30 = arith.constant 160 : i32
      %mul3A_31 = arith.muli %arg1, %mul3A_30 : i32
      %mul3A_32 = arith.constant 2 : i32
      %mul3A_33 = arith.muli %scan3A_29, %mul3A_32 : i32
      %add3A_34 = arith.addi %mul3A_31, %mul3A_33 : i32
      "tpu.region"() ({
        %run_scoped3A_447 = tpu.sem_alloc : memref<!tpu.dma_semaphore, #tpu.memory_space<semaphore_mem>>
        %dma_start3A_448 = arith.constant 0 : i32
        %dma_start3A_449 = tpu.memref_slice %arg4[%add3A_34, %dma_start3A_448] : memref<2560x128xi32, #tpu.memory_space<hbm>> -> memref<2x128xi32, #tpu.memory_space<hbm>>
        %dma_start3A_450 = arith.constant 0 : i32
        %dma_start3A_451 = tpu.memref_slice %arg4[%add3A_34, %dma_start3A_450] : memref<2560x128xi32, #tpu.memory_space<hbm>> -> memref<2x128xi32, #tpu.memory_space<hbm>>
        tpu.enqueue_dma source(%dma_start3A_451 : memref<2x128xi32, #tpu.memory_space<hbm>>) target(%arg9 : memref<2x128xi32, #tpu.memory_space<vmem>>) target_semaphore(%run_scoped3A_447 : memref<!tpu.dma_semaphore, #tpu.memory_space<semaphore_mem>>)
        %dma_wait3A_452 = arith.constant 0 : i32
        %dma_wait3A_453 = tpu.memref_slice %arg4[%add3A_34, %dma_wait3A_452] : memref<2560x128xi32, #tpu.memory_space<hbm>> -> memref<2x128xi32, #tpu.memory_space<hbm>>
        %dma_wait3A_454 = arith.constant 0 : i32
        %dma_wait3A_455 = tpu.memref_slice %arg4[%add3A_34, %dma_wait3A_454] : memref<2560x128xi32, #tpu.memory_space<hbm>> -> memref<2x128xi32, #tpu.memory_space<hbm>>
        tpu.wait_dma2 semaphore(%run_scoped3A_447 : memref<!tpu.dma_semaphore, #tpu.memory_space<semaphore_mem>>) src(%dma_wait3A_455 : memref<2x128xi32, #tpu.memory_space<hbm>>) dst(%arg9 : memref<2x128xi32, #tpu.memory_space<vmem>>)
        tpu.yield
      }) : () -> ()
      "tpu.region"() ({
        %run_scoped3A_447 = tpu.sem_alloc : memref<!tpu.dma_semaphore, #tpu.memory_space<semaphore_mem>>
        %dma_start3A_448 = arith.constant 0 : i32
        %dma_start3A_449 = tpu.memref_slice %arg5[%add3A_34, %dma_start3A_448] : memref<2560x128xi32, #tpu.memory_space<hbm>> -> memref<2x128xi32, #tpu.memory_space<hbm>>
        %dma_start3A_450 = arith.constant 0 : i32
        %dma_start3A_451 = tpu.memref_slice %arg5[%add3A_34, %dma_start3A_450] : memref<2560x128xi32, #tpu.memory_space<hbm>> -> memref<2x128xi32, #tpu.memory_space<hbm>>
        tpu.enqueue_dma source(%dma_start3A_451 : memref<2x128xi32, #tpu.memory_space<hbm>>) target(%arg10 : memref<2x128xi32, #tpu.memory_space<vmem>>) target_semaphore(%run_scoped3A_447 : memref<!tpu.dma_semaphore, #tpu.memory_space<semaphore_mem>>)
        %dma_wait3A_452 = arith.constant 0 : i32
        %dma_wait3A_453 = tpu.memref_slice %arg5[%add3A_34, %dma_wait3A_452] : memref<2560x128xi32, #tpu.memory_space<hbm>> -> memref<2x128xi32, #tpu.memory_space<hbm>>
        %dma_wait3A_454 = arith.constant 0 : i32
        %dma_wait3A_455 = tpu.memref_slice %arg5[%add3A_34, %dma_wait3A_454] : memref<2560x128xi32, #tpu.memory_space<hbm>> -> memref<2x128xi32, #tpu.memory_space<hbm>>
        tpu.wait_dma2 semaphore(%run_scoped3A_447 : memref<!tpu.dma_semaphore, #tpu.memory_space<semaphore_mem>>) src(%dma_wait3A_455 : memref<2x128xi32, #tpu.memory_space<hbm>>) dst(%arg10 : memref<2x128xi32, #tpu.memory_space<vmem>>)
        tpu.yield
      }) : () -> ()
      %dma_start3A = arith.constant 0 : i32
      %dma_start3A_35 = arith.constant 0 : i32
      %dma_start3A_36 = arith.constant 0 : i32
      %dma_start3A_37 = tpu.memref_slice %arg11[%dma_start3A_35, %dma_start3A_36] : memref<256x16xf32, #tpu.memory_space<vmem>> -> memref<128x16xf32, #tpu.memory_space<vmem>>
      %dma_start3A_38 = arith.constant 0 : i32
      %dma_start3A_39 = tpu.memref_slice %arg9[%dma_start3A, %dma_start3A_38] : memref<2x128xi32, #tpu.memory_space<vmem>> -> memref<1x128xi32, #tpu.memory_space<vmem>>
      %dma_start3A_40 = tpu.memref_squeeze %dma_start3A_39 : memref<1x128xi32, #tpu.memory_space<vmem>> -> memref<128xi32, #tpu.memory_space<vmem>>
      %dma_start3A_41 = arith.constant 0 : i32
      %dma_start3A_42 = arith.constant 0 : i32
      %dma_start3A_43 = tpu.memref_slice %arg2[%dma_start3A_41, %dma_start3A_42] : memref<10000x16xf32, #tpu.memory_space<hbm>> -> memref<10000x16xf32, #tpu.memory_space<hbm>>
      tpu.enqueue_indirect_dma source(%dma_start3A_43 : memref<10000x16xf32, #tpu.memory_space<hbm>>) target(%dma_start3A_37 : memref<128x16xf32, #tpu.memory_space<vmem>>) offsets(%dma_start3A_40 : memref<128xi32, #tpu.memory_space<vmem>>) semaphore(%arg14 : memref<!tpu.dma_semaphore, #tpu.memory_space<semaphore_mem>>)
      %dma_start3A_44 = arith.constant 1 : i32
      %dma_start3A_45 = arith.constant 128 : i32
      %dma_start3A_46 = arith.constant 0 : i32
      %dma_start3A_47 = tpu.memref_slice %arg11[%dma_start3A_45, %dma_start3A_46] : memref<256x16xf32, #tpu.memory_space<vmem>> -> memref<128x16xf32, #tpu.memory_space<vmem>>
      %dma_start3A_48 = arith.constant 0 : i32
      %dma_start3A_49 = tpu.memref_slice %arg9[%dma_start3A_44, %dma_start3A_48] : memref<2x128xi32, #tpu.memory_space<vmem>> -> memref<1x128xi32, #tpu.memory_space<vmem>>
      %dma_start3A_50 = tpu.memref_squeeze %dma_start3A_49 : memref<1x128xi32, #tpu.memory_space<vmem>> -> memref<128xi32, #tpu.memory_space<vmem>>
      %dma_start3A_51 = arith.constant 0 : i32
      %dma_start3A_52 = arith.constant 0 : i32
      %dma_start3A_53 = tpu.memref_slice %arg2[%dma_start3A_51, %dma_start3A_52] : memref<10000x16xf32, #tpu.memory_space<hbm>> -> memref<10000x16xf32, #tpu.memory_space<hbm>>
      tpu.enqueue_indirect_dma source(%dma_start3A_53 : memref<10000x16xf32, #tpu.memory_space<hbm>>) target(%dma_start3A_47 : memref<128x16xf32, #tpu.memory_space<vmem>>) offsets(%dma_start3A_50 : memref<128xi32, #tpu.memory_space<vmem>>) semaphore(%arg14 : memref<!tpu.dma_semaphore, #tpu.memory_space<semaphore_mem>>)
      %add3A_54 = arith.constant 0 : i32
      %add3A_55 = arith.addi %add3A_34, %add3A_54 : i32
      %lt3A_56 = arith.constant 2500 : i32
      %lt3A_57 = arith.cmpi slt, %add3A_55, %lt3A_56 : i32
      %broadcast_in_dim3A_58 = vector.broadcast %lt3A_57 : i1 to vector<16xi1>
      %dma_wait3A = arith.constant 0 : i32
      %dma_wait3A_59 = arith.constant 0 : i32
      %dma_wait3A_60 = arith.constant 0 : i32
      %dma_wait3A_61 = tpu.memref_slice %arg11[%dma_wait3A_59, %dma_wait3A_60] : memref<256x16xf32, #tpu.memory_space<vmem>> -> memref<128x16xf32, #tpu.memory_space<vmem>>
      %dma_wait3A_62 = arith.constant 0 : i32
      %dma_wait3A_63 = tpu.memref_slice %arg9[%dma_wait3A, %dma_wait3A_62] : memref<2x128xi32, #tpu.memory_space<vmem>> -> memref<1x128xi32, #tpu.memory_space<vmem>>
      %dma_wait3A_64 = tpu.memref_squeeze %dma_wait3A_63 : memref<1x128xi32, #tpu.memory_space<vmem>> -> memref<128xi32, #tpu.memory_space<vmem>>
      %dma_wait3A_65 = arith.constant 0 : i32
      %dma_wait3A_66 = arith.constant 0 : i32
      %dma_wait3A_67 = tpu.memref_slice %arg2[%dma_wait3A_65, %dma_wait3A_66] : memref<10000x16xf32, #tpu.memory_space<hbm>> -> memref<10000x16xf32, #tpu.memory_space<hbm>>
      tpu.wait_indirect_dma semaphore(%arg14 : memref<!tpu.dma_semaphore, #tpu.memory_space<semaphore_mem>>) src(%dma_wait3A_67 : memref<10000x16xf32, #tpu.memory_space<hbm>>) dst(%dma_wait3A_61 : memref<128x16xf32, #tpu.memory_space<vmem>>)
      %get3A = arith.constant 0 : i32
      %get3A_68 = arith.index_cast %get3A : i32 to index
      %get3A_69 = arith.constant 0 : index
      %get3A_70 = tpu.vector_load %arg9[%get3A_68, %get3A_69] {strides = array<i32>} : memref<2x128xi32, #tpu.memory_space<vmem>>, vector<16xi32>,
      %get3A_71 = arith.constant 0 : i32
      %get3A_72 = arith.index_cast %get3A_71 : i32 to index
      %get3A_73 = arith.constant 0 : index
      %get3A_74 = tpu.vector_load %arg10[%get3A_72, %get3A_73] {strides = array<i32>} : memref<2x128xi32, #tpu.memory_space<vmem>>, vector<16xi32>,
      %gather3A = tpu.vector_load_idx %arg7[%get3A_70] : memref<10000xf32, #tpu.memory_space<vmem>>[vector<16xi32>], vector<16xf32>,
      %gather3A_75 = tpu.vector_load_idx %arg8[%get3A_74] : memref<10000xf32, #tpu.memory_space<vmem>>[vector<16xi32>], vector<16xf32>,
      %add3A_76 = arith.addf %gather3A, %gather3A_75 : vector<16xf32>
      %ge3A_77 = arith.constant 0.000000e+00 : f32
      %ge3A_78 = vector.broadcast %ge3A_77 : f32 to vector<16xf32>
      %ge3A_79 = arith.cmpf oge, %add3A_76, %ge3A_78 : vector<16xf32>
      %mul3A_80 = arith.constant 2.000000e-01 : f32
      %mul3A_81 = vector.broadcast %mul3A_80 : f32 to vector<16xf32>
      %mul3A_82 = arith.mulf %add3A_76, %mul3A_81 : vector<16xf32>
      %select_n3A_83 = arith.select %ge3A_79, %add3A_76, %mul3A_82 : vector<16xi1>, vector<16xf32>
      %exp3A = math.exp %select_n3A_83 : vector<16xf32>
      %jit3A_84 = arith.constant 0.000000e+00 : f32
      %broadcast_in_dim3A_85 = vector.broadcast %jit3A_84 : f32 to vector<16xf32>
      %select_n3A_86 = arith.select %broadcast_in_dim3A_58, %exp3A, %broadcast_in_dim3A_85 : vector<16xi1>, vector<16xf32>
      %bitcast3A = vector.bitcast %get3A_74 : vector<16xi32> to vector<16xf32>
      %get3A_87 = arith.constant 0 : i32
      %get3A_88 = arith.index_cast %get3A_87 : i32 to index
      %get3A_89 = arith.constant 16 : index
      %get3A_90 = tpu.vector_load %arg9[%get3A_88, %get3A_89] {strides = array<i32>} : memref<2x128xi32, #tpu.memory_space<vmem>>, vector<16xi32>,
      %get3A_91 = arith.constant 0 : i32
      %get3A_92 = arith.index_cast %get3A_91 : i32 to index
      %get3A_93 = arith.constant 16 : index
      %get3A_94 = tpu.vector_load %arg10[%get3A_92, %get3A_93] {strides = array<i32>} : memref<2x128xi32, #tpu.memory_space<vmem>>, vector<16xi32>,
      %gather3A_95 = tpu.vector_load_idx %arg7[%get3A_90] : memref<10000xf32, #tpu.memory_space<vmem>>[vector<16xi32>], vector<16xf32>,
      %gather3A_96 = tpu.vector_load_idx %arg8[%get3A_94] : memref<10000xf32, #tpu.memory_space<vmem>>[vector<16xi32>], vector<16xf32>,
      %add3A_97 = arith.addf %gather3A_95, %gather3A_96 : vector<16xf32>
      %ge3A_98 = arith.constant 0.000000e+00 : f32
      %ge3A_99 = vector.broadcast %ge3A_98 : f32 to vector<16xf32>
      %ge3A_100 = arith.cmpf oge, %add3A_97, %ge3A_99 : vector<16xf32>
      %mul3A_101 = arith.constant 2.000000e-01 : f32
      %mul3A_102 = vector.broadcast %mul3A_101 : f32 to vector<16xf32>
      %mul3A_103 = arith.mulf %add3A_97, %mul3A_102 : vector<16xf32>
      %select_n3A_104 = arith.select %ge3A_100, %add3A_97, %mul3A_103 : vector<16xi1>, vector<16xf32>
      %exp3A_105 = math.exp %select_n3A_104 : vector<16xf32>
      %jit3A_106 = arith.constant 0.000000e+00 : f32
      %broadcast_in_dim3A_107 = vector.broadcast %jit3A_106 : f32 to vector<16xf32>
      %select_n3A_108 = arith.select %broadcast_in_dim3A_58, %exp3A_105, %broadcast_in_dim3A_107 : vector<16xi1>, vector<16xf32>
      %bitcast3A_109 = vector.bitcast %get3A_94 : vector<16xi32> to vector<16xf32>
      %get3A_110 = arith.constant 0 : i32
      %get3A_111 = arith.index_cast %get3A_110 : i32 to index
      %get3A_112 = arith.constant 32 : index
      %get3A_113 = tpu.vector_load %arg9[%get3A_111, %get3A_112] {strides = array<i32>} : memref<2x128xi32, #tpu.memory_space<vmem>>, vector<16xi32>,
      %get3A_114 = arith.constant 0 : i32
      %get3A_115 = arith.index_cast %get3A_114 : i32 to index
      %get3A_116 = arith.constant 32 : index
      %get3A_117 = tpu.vector_load %arg10[%get3A_115, %get3A_116] {strides = array<i32>} : memref<2x128xi32, #tpu.memory_space<vmem>>, vector<16xi32>,
      %gather3A_118 = tpu.vector_load_idx %arg7[%get3A_113] : memref<10000xf32, #tpu.memory_space<vmem>>[vector<16xi32>], vector<16xf32>,
      %gather3A_119 = tpu.vector_load_idx %arg8[%get3A_117] : memref<10000xf32, #tpu.memory_space<vmem>>[vector<16xi32>], vector<16xf32>,
      %add3A_120 = arith.addf %gather3A_118, %gather3A_119 : vector<16xf32>
      %ge3A_121 = arith.constant 0.000000e+00 : f32
      %ge3A_122 = vector.broadcast %ge3A_121 : f32 to vector<16xf32>
      %ge3A_123 = arith.cmpf oge, %add3A_120, %ge3A_122 : vector<16xf32>
      %mul3A_124 = arith.constant 2.000000e-01 : f32
      %mul3A_125 = vector.broadcast %mul3A_124 : f32 to vector<16xf32>
      %mul3A_126 = arith.mulf %add3A_120, %mul3A_125 : vector<16xf32>
      %select_n3A_127 = arith.select %ge3A_123, %add3A_120, %mul3A_126 : vector<16xi1>, vector<16xf32>
      %exp3A_128 = math.exp %select_n3A_127 : vector<16xf32>
      %jit3A_129 = arith.constant 0.000000e+00 : f32
      %broadcast_in_dim3A_130 = vector.broadcast %jit3A_129 : f32 to vector<16xf32>
      %select_n3A_131 = arith.select %broadcast_in_dim3A_58, %exp3A_128, %broadcast_in_dim3A_130 : vector<16xi1>, vector<16xf32>
      %bitcast3A_132 = vector.bitcast %get3A_117 : vector<16xi32> to vector<16xf32>
      %get3A_133 = arith.constant 0 : i32
      %get3A_134 = arith.index_cast %get3A_133 : i32 to index
      %get3A_135 = arith.constant 48 : index
      %get3A_136 = tpu.vector_load %arg9[%get3A_134, %get3A_135] {strides = array<i32>} : memref<2x128xi32, #tpu.memory_space<vmem>>, vector<16xi32>,
      %get3A_137 = arith.constant 0 : i32
      %get3A_138 = arith.index_cast %get3A_137 : i32 to index
      %get3A_139 = arith.constant 48 : index
      %get3A_140 = tpu.vector_load %arg10[%get3A_138, %get3A_139] {strides = array<i32>} : memref<2x128xi32, #tpu.memory_space<vmem>>, vector<16xi32>,
      %gather3A_141 = tpu.vector_load_idx %arg7[%get3A_136] : memref<10000xf32, #tpu.memory_space<vmem>>[vector<16xi32>], vector<16xf32>,
      %gather3A_142 = tpu.vector_load_idx %arg8[%get3A_140] : memref<10000xf32, #tpu.memory_space<vmem>>[vector<16xi32>], vector<16xf32>,
      %add3A_143 = arith.addf %gather3A_141, %gather3A_142 : vector<16xf32>
      %ge3A_144 = arith.constant 0.000000e+00 : f32
      %ge3A_145 = vector.broadcast %ge3A_144 : f32 to vector<16xf32>
      %ge3A_146 = arith.cmpf oge, %add3A_143, %ge3A_145 : vector<16xf32>
      %mul3A_147 = arith.constant 2.000000e-01 : f32
      %mul3A_148 = vector.broadcast %mul3A_147 : f32 to vector<16xf32>
      %mul3A_149 = arith.mulf %add3A_143, %mul3A_148 : vector<16xf32>
      %select_n3A_150 = arith.select %ge3A_146, %add3A_143, %mul3A_149 : vector<16xi1>, vector<16xf32>
      %exp3A_151 = math.exp %select_n3A_150 : vector<16xf32>
      %jit3A_152 = arith.constant 0.000000e+00 : f32
      %broadcast_in_dim3A_153 = vector.broadcast %jit3A_152 : f32 to vector<16xf32>
      %select_n3A_154 = arith.select %broadcast_in_dim3A_58, %exp3A_151, %broadcast_in_dim3A_153 : vector<16xi1>, vector<16xf32>
      %bitcast3A_155 = vector.bitcast %get3A_140 : vector<16xi32> to vector<16xf32>
      %get3A_156 = arith.constant 0 : i32
      %get3A_157 = arith.index_cast %get3A_156 : i32 to index
      %get3A_158 = arith.constant 64 : index
      %get3A_159 = tpu.vector_load %arg9[%get3A_157, %get3A_158] {strides = array<i32>} : memref<2x128xi32, #tpu.memory_space<vmem>>, vector<16xi32>,
      %get3A_160 = arith.constant 0 : i32
      %get3A_161 = arith.index_cast %get3A_160 : i32 to index
      %get3A_162 = arith.constant 64 : index
      %get3A_163 = tpu.vector_load %arg10[%get3A_161, %get3A_162] {strides = array<i32>} : memref<2x128xi32, #tpu.memory_space<vmem>>, vector<16xi32>,
      %gather3A_164 = tpu.vector_load_idx %arg7[%get3A_159] : memref<10000xf32, #tpu.memory_space<vmem>>[vector<16xi32>], vector<16xf32>,
      %gather3A_165 = tpu.vector_load_idx %arg8[%get3A_163] : memref<10000xf32, #tpu.memory_space<vmem>>[vector<16xi32>], vector<16xf32>,
      %add3A_166 = arith.addf %gather3A_164, %gather3A_165 : vector<16xf32>
      %ge3A_167 = arith.constant 0.000000e+00 : f32
      %ge3A_168 = vector.broadcast %ge3A_167 : f32 to vector<16xf32>
      %ge3A_169 = arith.cmpf oge, %add3A_166, %ge3A_168 : vector<16xf32>
      %mul3A_170 = arith.constant 2.000000e-01 : f32
      %mul3A_171 = vector.broadcast %mul3A_170 : f32 to vector<16xf32>
      %mul3A_172 = arith.mulf %add3A_166, %mul3A_171 : vector<16xf32>
      %select_n3A_173 = arith.select %ge3A_169, %add3A_166, %mul3A_172 : vector<16xi1>, vector<16xf32>
      %exp3A_174 = math.exp %select_n3A_173 : vector<16xf32>
      %jit3A_175 = arith.constant 0.000000e+00 : f32
      %broadcast_in_dim3A_176 = vector.broadcast %jit3A_175 : f32 to vector<16xf32>
      %select_n3A_177 = arith.select %broadcast_in_dim3A_58, %exp3A_174, %broadcast_in_dim3A_176 : vector<16xi1>, vector<16xf32>
      %bitcast3A_178 = vector.bitcast %get3A_163 : vector<16xi32> to vector<16xf32>
      %get3A_179 = arith.constant 0 : i32
      %get3A_180 = arith.index_cast %get3A_179 : i32 to index
      %get3A_181 = arith.constant 80 : index
      %get3A_182 = tpu.vector_load %arg9[%get3A_180, %get3A_181] {strides = array<i32>} : memref<2x128xi32, #tpu.memory_space<vmem>>, vector<16xi32>,
      %get3A_183 = arith.constant 0 : i32
      %get3A_184 = arith.index_cast %get3A_183 : i32 to index
      %get3A_185 = arith.constant 80 : index
      %get3A_186 = tpu.vector_load %arg10[%get3A_184, %get3A_185] {strides = array<i32>} : memref<2x128xi32, #tpu.memory_space<vmem>>, vector<16xi32>,
      %gather3A_187 = tpu.vector_load_idx %arg7[%get3A_182] : memref<10000xf32, #tpu.memory_space<vmem>>[vector<16xi32>], vector<16xf32>,
      %gather3A_188 = tpu.vector_load_idx %arg8[%get3A_186] : memref<10000xf32, #tpu.memory_space<vmem>>[vector<16xi32>], vector<16xf32>,
      %add3A_189 = arith.addf %gather3A_187, %gather3A_188 : vector<16xf32>
      %ge3A_190 = arith.constant 0.000000e+00 : f32
      %ge3A_191 = vector.broadcast %ge3A_190 : f32 to vector<16xf32>
      %ge3A_192 = arith.cmpf oge, %add3A_189, %ge3A_191 : vector<16xf32>
      %mul3A_193 = arith.constant 2.000000e-01 : f32
      %mul3A_194 = vector.broadcast %mul3A_193 : f32 to vector<16xf32>
      %mul3A_195 = arith.mulf %add3A_189, %mul3A_194 : vector<16xf32>
      %select_n3A_196 = arith.select %ge3A_192, %add3A_189, %mul3A_195 : vector<16xi1>, vector<16xf32>
      %exp3A_197 = math.exp %select_n3A_196 : vector<16xf32>
      %jit3A_198 = arith.constant 0.000000e+00 : f32
      %broadcast_in_dim3A_199 = vector.broadcast %jit3A_198 : f32 to vector<16xf32>
      %select_n3A_200 = arith.select %broadcast_in_dim3A_58, %exp3A_197, %broadcast_in_dim3A_199 : vector<16xi1>, vector<16xf32>
      %bitcast3A_201 = vector.bitcast %get3A_186 : vector<16xi32> to vector<16xf32>
      %get3A_202 = arith.constant 0 : i32
      %get3A_203 = arith.index_cast %get3A_202 : i32 to index
      %get3A_204 = arith.constant 96 : index
      %get3A_205 = tpu.vector_load %arg9[%get3A_203, %get3A_204] {strides = array<i32>} : memref<2x128xi32, #tpu.memory_space<vmem>>, vector<16xi32>,
      %get3A_206 = arith.constant 0 : i32
      %get3A_207 = arith.index_cast %get3A_206 : i32 to index
      %get3A_208 = arith.constant 96 : index
      %get3A_209 = tpu.vector_load %arg10[%get3A_207, %get3A_208] {strides = array<i32>} : memref<2x128xi32, #tpu.memory_space<vmem>>, vector<16xi32>,
      %gather3A_210 = tpu.vector_load_idx %arg7[%get3A_205] : memref<10000xf32, #tpu.memory_space<vmem>>[vector<16xi32>], vector<16xf32>,
      %gather3A_211 = tpu.vector_load_idx %arg8[%get3A_209] : memref<10000xf32, #tpu.memory_space<vmem>>[vector<16xi32>], vector<16xf32>,
      %add3A_212 = arith.addf %gather3A_210, %gather3A_211 : vector<16xf32>
      %ge3A_213 = arith.constant 0.000000e+00 : f32
      %ge3A_214 = vector.broadcast %ge3A_213 : f32 to vector<16xf32>
      %ge3A_215 = arith.cmpf oge, %add3A_212, %ge3A_214 : vector<16xf32>
      %mul3A_216 = arith.constant 2.000000e-01 : f32
      %mul3A_217 = vector.broadcast %mul3A_216 : f32 to vector<16xf32>
      %mul3A_218 = arith.mulf %add3A_212, %mul3A_217 : vector<16xf32>
      %select_n3A_219 = arith.select %ge3A_215, %add3A_212, %mul3A_218 : vector<16xi1>, vector<16xf32>
      %exp3A_220 = math.exp %select_n3A_219 : vector<16xf32>
      %jit3A_221 = arith.constant 0.000000e+00 : f32
      %broadcast_in_dim3A_222 = vector.broadcast %jit3A_221 : f32 to vector<16xf32>
      %select_n3A_223 = arith.select %broadcast_in_dim3A_58, %exp3A_220, %broadcast_in_dim3A_222 : vector<16xi1>, vector<16xf32>
      %bitcast3A_224 = vector.bitcast %get3A_209 : vector<16xi32> to vector<16xf32>
      %get3A_225 = arith.constant 0 : i32
      %get3A_226 = arith.index_cast %get3A_225 : i32 to index
      %get3A_227 = arith.constant 112 : index
      %get3A_228 = tpu.vector_load %arg9[%get3A_226, %get3A_227] {strides = array<i32>} : memref<2x128xi32, #tpu.memory_space<vmem>>, vector<16xi32>,
      %get3A_229 = arith.constant 0 : i32
      %get3A_230 = arith.index_cast %get3A_229 : i32 to index
      %get3A_231 = arith.constant 112 : index
      %get3A_232 = tpu.vector_load %arg10[%get3A_230, %get3A_231] {strides = array<i32>} : memref<2x128xi32, #tpu.memory_space<vmem>>, vector<16xi32>,
      %gather3A_233 = tpu.vector_load_idx %arg7[%get3A_228] : memref<10000xf32, #tpu.memory_space<vmem>>[vector<16xi32>], vector<16xf32>,
      %gather3A_234 = tpu.vector_load_idx %arg8[%get3A_232] : memref<10000xf32, #tpu.memory_space<vmem>>[vector<16xi32>], vector<16xf32>,
      %add3A_235 = arith.addf %gather3A_233, %gather3A_234 : vector<16xf32>
      %ge3A_236 = arith.constant 0.000000e+00 : f32
      %ge3A_237 = vector.broadcast %ge3A_236 : f32 to vector<16xf32>
      %ge3A_238 = arith.cmpf oge, %add3A_235, %ge3A_237 : vector<16xf32>
      %mul3A_239 = arith.constant 2.000000e-01 : f32
      %mul3A_240 = vector.broadcast %mul3A_239 : f32 to vector<16xf32>
      %mul3A_241 = arith.mulf %add3A_235, %mul3A_240 : vector<16xf32>
      %select_n3A_242 = arith.select %ge3A_238, %add3A_235, %mul3A_241 : vector<16xi1>, vector<16xf32>
      %exp3A_243 = math.exp %select_n3A_242 : vector<16xf32>
      %jit3A_244 = arith.constant 0.000000e+00 : f32
      %broadcast_in_dim3A_245 = vector.broadcast %jit3A_244 : f32 to vector<16xf32>
      %select_n3A_246 = arith.select %broadcast_in_dim3A_58, %exp3A_243, %broadcast_in_dim3A_245 : vector<16xi1>, vector<16xf32>
      %bitcast3A_247 = vector.bitcast %get3A_232 : vector<16xi32> to vector<16xf32>
      %add3A_248 = arith.constant 1 : i32
      %add3A_249 = arith.addi %add3A_34, %add3A_248 : i32
      %lt3A_250 = arith.constant 2500 : i32
      %lt3A_251 = arith.cmpi slt, %add3A_249, %lt3A_250 : i32
      %broadcast_in_dim3A_252 = vector.broadcast %lt3A_251 : i1 to vector<16xi1>
      %dma_wait3A_253 = arith.constant 1 : i32
      %dma_wait3A_254 = arith.constant 128 : i32
      %dma_wait3A_255 = arith.constant 0 : i32
      %dma_wait3A_256 = tpu.memref_slice %arg11[%dma_wait3A_254, %dma_wait3A_255] : memref<256x16xf32, #tpu.memory_space<vmem>> -> memref<128x16xf32, #tpu.memory_space<vmem>>
      %dma_wait3A_257 = arith.constant 0 : i32
      %dma_wait3A_258 = tpu.memref_slice %arg9[%dma_wait3A_253, %dma_wait3A_257] : memref<2x128xi32, #tpu.memory_space<vmem>> -> memref<1x128xi32, #tpu.memory_space<vmem>>
      %dma_wait3A_259 = tpu.memref_squeeze %dma_wait3A_258 : memref<1x128xi32, #tpu.memory_space<vmem>> -> memref<128xi32, #tpu.memory_space<vmem>>
      %dma_wait3A_260 = arith.constant 0 : i32
      %dma_wait3A_261 = arith.constant 0 : i32
      %dma_wait3A_262 = tpu.memref_slice %arg2[%dma_wait3A_260, %dma_wait3A_261] : memref<10000x16xf32, #tpu.memory_space<hbm>> -> memref<10000x16xf32, #tpu.memory_space<hbm>>
      tpu.wait_indirect_dma semaphore(%arg14 : memref<!tpu.dma_semaphore, #tpu.memory_space<semaphore_mem>>) src(%dma_wait3A_262 : memref<10000x16xf32, #tpu.memory_space<hbm>>) dst(%dma_wait3A_256 : memref<128x16xf32, #tpu.memory_space<vmem>>)
      %get3A_263 = arith.constant 1 : i32
      %get3A_264 = arith.index_cast %get3A_263 : i32 to index
      %get3A_265 = arith.constant 0 : index
      %get3A_266 = tpu.vector_load %arg9[%get3A_264, %get3A_265] {strides = array<i32>} : memref<2x128xi32, #tpu.memory_space<vmem>>, vector<16xi32>,
      %get3A_267 = arith.constant 1 : i32
      %get3A_268 = arith.index_cast %get3A_267 : i32 to index
      %get3A_269 = arith.constant 0 : index
      %get3A_270 = tpu.vector_load %arg10[%get3A_268, %get3A_269] {strides = array<i32>} : memref<2x128xi32, #tpu.memory_space<vmem>>, vector<16xi32>,
      %gather3A_271 = tpu.vector_load_idx %arg7[%get3A_266] : memref<10000xf32, #tpu.memory_space<vmem>>[vector<16xi32>], vector<16xf32>,
      %gather3A_272 = tpu.vector_load_idx %arg8[%get3A_270] : memref<10000xf32, #tpu.memory_space<vmem>>[vector<16xi32>], vector<16xf32>,
      %add3A_273 = arith.addf %gather3A_271, %gather3A_272 : vector<16xf32>
      %ge3A_274 = arith.constant 0.000000e+00 : f32
      %ge3A_275 = vector.broadcast %ge3A_274 : f32 to vector<16xf32>
      %ge3A_276 = arith.cmpf oge, %add3A_273, %ge3A_275 : vector<16xf32>
      %mul3A_277 = arith.constant 2.000000e-01 : f32
      %mul3A_278 = vector.broadcast %mul3A_277 : f32 to vector<16xf32>
      %mul3A_279 = arith.mulf %add3A_273, %mul3A_278 : vector<16xf32>
      %select_n3A_280 = arith.select %ge3A_276, %add3A_273, %mul3A_279 : vector<16xi1>, vector<16xf32>
      %exp3A_281 = math.exp %select_n3A_280 : vector<16xf32>
      %jit3A_282 = arith.constant 0.000000e+00 : f32
      %broadcast_in_dim3A_283 = vector.broadcast %jit3A_282 : f32 to vector<16xf32>
      %select_n3A_284 = arith.select %broadcast_in_dim3A_252, %exp3A_281, %broadcast_in_dim3A_283 : vector<16xi1>, vector<16xf32>
      %bitcast3A_285 = vector.bitcast %get3A_270 : vector<16xi32> to vector<16xf32>
      %get3A_286 = arith.constant 1 : i32
      %get3A_287 = arith.index_cast %get3A_286 : i32 to index
      %get3A_288 = arith.constant 16 : index
      %get3A_289 = tpu.vector_load %arg9[%get3A_287, %get3A_288] {strides = array<i32>} : memref<2x128xi32, #tpu.memory_space<vmem>>, vector<16xi32>,
      %get3A_290 = arith.constant 1 : i32
      %get3A_291 = arith.index_cast %get3A_290 : i32 to index
      %get3A_292 = arith.constant 16 : index
      %get3A_293 = tpu.vector_load %arg10[%get3A_291, %get3A_292] {strides = array<i32>} : memref<2x128xi32, #tpu.memory_space<vmem>>, vector<16xi32>,
      %gather3A_294 = tpu.vector_load_idx %arg7[%get3A_289] : memref<10000xf32, #tpu.memory_space<vmem>>[vector<16xi32>], vector<16xf32>,
      %gather3A_295 = tpu.vector_load_idx %arg8[%get3A_293] : memref<10000xf32, #tpu.memory_space<vmem>>[vector<16xi32>], vector<16xf32>,
      %add3A_296 = arith.addf %gather3A_294, %gather3A_295 : vector<16xf32>
      %ge3A_297 = arith.constant 0.000000e+00 : f32
      %ge3A_298 = vector.broadcast %ge3A_297 : f32 to vector<16xf32>
      %ge3A_299 = arith.cmpf oge, %add3A_296, %ge3A_298 : vector<16xf32>
      %mul3A_300 = arith.constant 2.000000e-01 : f32
      %mul3A_301 = vector.broadcast %mul3A_300 : f32 to vector<16xf32>
      %mul3A_302 = arith.mulf %add3A_296, %mul3A_301 : vector<16xf32>
      %select_n3A_303 = arith.select %ge3A_299, %add3A_296, %mul3A_302 : vector<16xi1>, vector<16xf32>
      %exp3A_304 = math.exp %select_n3A_303 : vector<16xf32>
      %jit3A_305 = arith.constant 0.000000e+00 : f32
      %broadcast_in_dim3A_306 = vector.broadcast %jit3A_305 : f32 to vector<16xf32>
      %select_n3A_307 = arith.select %broadcast_in_dim3A_252, %exp3A_304, %broadcast_in_dim3A_306 : vector<16xi1>, vector<16xf32>
      %bitcast3A_308 = vector.bitcast %get3A_293 : vector<16xi32> to vector<16xf32>
      %get3A_309 = arith.constant 1 : i32
      %get3A_310 = arith.index_cast %get3A_309 : i32 to index
      %get3A_311 = arith.constant 32 : index
      %get3A_312 = tpu.vector_load %arg9[%get3A_310, %get3A_311] {strides = array<i32>} : memref<2x128xi32, #tpu.memory_space<vmem>>, vector<16xi32>,
      %get3A_313 = arith.constant 1 : i32
      %get3A_314 = arith.index_cast %get3A_313 : i32 to index
      %get3A_315 = arith.constant 32 : index
      %get3A_316 = tpu.vector_load %arg10[%get3A_314, %get3A_315] {strides = array<i32>} : memref<2x128xi32, #tpu.memory_space<vmem>>, vector<16xi32>,
      %gather3A_317 = tpu.vector_load_idx %arg7[%get3A_312] : memref<10000xf32, #tpu.memory_space<vmem>>[vector<16xi32>], vector<16xf32>,
      %gather3A_318 = tpu.vector_load_idx %arg8[%get3A_316] : memref<10000xf32, #tpu.memory_space<vmem>>[vector<16xi32>], vector<16xf32>,
      %add3A_319 = arith.addf %gather3A_317, %gather3A_318 : vector<16xf32>
      %ge3A_320 = arith.constant 0.000000e+00 : f32
      %ge3A_321 = vector.broadcast %ge3A_320 : f32 to vector<16xf32>
      %ge3A_322 = arith.cmpf oge, %add3A_319, %ge3A_321 : vector<16xf32>
      %mul3A_323 = arith.constant 2.000000e-01 : f32
      %mul3A_324 = vector.broadcast %mul3A_323 : f32 to vector<16xf32>
      %mul3A_325 = arith.mulf %add3A_319, %mul3A_324 : vector<16xf32>
      %select_n3A_326 = arith.select %ge3A_322, %add3A_319, %mul3A_325 : vector<16xi1>, vector<16xf32>
      %exp3A_327 = math.exp %select_n3A_326 : vector<16xf32>
      %jit3A_328 = arith.constant 0.000000e+00 : f32
      %broadcast_in_dim3A_329 = vector.broadcast %jit3A_328 : f32 to vector<16xf32>
      %select_n3A_330 = arith.select %broadcast_in_dim3A_252, %exp3A_327, %broadcast_in_dim3A_329 : vector<16xi1>, vector<16xf32>
      %bitcast3A_331 = vector.bitcast %get3A_316 : vector<16xi32> to vector<16xf32>
      %get3A_332 = arith.constant 1 : i32
      %get3A_333 = arith.index_cast %get3A_332 : i32 to index
      %get3A_334 = arith.constant 48 : index
      %get3A_335 = tpu.vector_load %arg9[%get3A_333, %get3A_334] {strides = array<i32>} : memref<2x128xi32, #tpu.memory_space<vmem>>, vector<16xi32>,
      %get3A_336 = arith.constant 1 : i32
      %get3A_337 = arith.index_cast %get3A_336 : i32 to index
      %get3A_338 = arith.constant 48 : index
      %get3A_339 = tpu.vector_load %arg10[%get3A_337, %get3A_338] {strides = array<i32>} : memref<2x128xi32, #tpu.memory_space<vmem>>, vector<16xi32>,
      %gather3A_340 = tpu.vector_load_idx %arg7[%get3A_335] : memref<10000xf32, #tpu.memory_space<vmem>>[vector<16xi32>], vector<16xf32>,
      %gather3A_341 = tpu.vector_load_idx %arg8[%get3A_339] : memref<10000xf32, #tpu.memory_space<vmem>>[vector<16xi32>], vector<16xf32>,
      %add3A_342 = arith.addf %gather3A_340, %gather3A_341 : vector<16xf32>
      %ge3A_343 = arith.constant 0.000000e+00 : f32
      %ge3A_344 = vector.broadcast %ge3A_343 : f32 to vector<16xf32>
      %ge3A_345 = arith.cmpf oge, %add3A_342, %ge3A_344 : vector<16xf32>
      %mul3A_346 = arith.constant 2.000000e-01 : f32
      %mul3A_347 = vector.broadcast %mul3A_346 : f32 to vector<16xf32>
      %mul3A_348 = arith.mulf %add3A_342, %mul3A_347 : vector<16xf32>
      %select_n3A_349 = arith.select %ge3A_345, %add3A_342, %mul3A_348 : vector<16xi1>, vector<16xf32>
      %exp3A_350 = math.exp %select_n3A_349 : vector<16xf32>
      %jit3A_351 = arith.constant 0.000000e+00 : f32
      %broadcast_in_dim3A_352 = vector.broadcast %jit3A_351 : f32 to vector<16xf32>
      %select_n3A_353 = arith.select %broadcast_in_dim3A_252, %exp3A_350, %broadcast_in_dim3A_352 : vector<16xi1>, vector<16xf32>
      %bitcast3A_354 = vector.bitcast %get3A_339 : vector<16xi32> to vector<16xf32>
      %get3A_355 = arith.constant 1 : i32
      %get3A_356 = arith.index_cast %get3A_355 : i32 to index
      %get3A_357 = arith.constant 64 : index
      %get3A_358 = tpu.vector_load %arg9[%get3A_356, %get3A_357] {strides = array<i32>} : memref<2x128xi32, #tpu.memory_space<vmem>>, vector<16xi32>,
      %get3A_359 = arith.constant 1 : i32
      %get3A_360 = arith.index_cast %get3A_359 : i32 to index
      %get3A_361 = arith.constant 64 : index
      %get3A_362 = tpu.vector_load %arg10[%get3A_360, %get3A_361] {strides = array<i32>} : memref<2x128xi32, #tpu.memory_space<vmem>>, vector<16xi32>,
      %gather3A_363 = tpu.vector_load_idx %arg7[%get3A_358] : memref<10000xf32, #tpu.memory_space<vmem>>[vector<16xi32>], vector<16xf32>,
      %gather3A_364 = tpu.vector_load_idx %arg8[%get3A_362] : memref<10000xf32, #tpu.memory_space<vmem>>[vector<16xi32>], vector<16xf32>,
      %add3A_365 = arith.addf %gather3A_363, %gather3A_364 : vector<16xf32>
      %ge3A_366 = arith.constant 0.000000e+00 : f32
      %ge3A_367 = vector.broadcast %ge3A_366 : f32 to vector<16xf32>
      %ge3A_368 = arith.cmpf oge, %add3A_365, %ge3A_367 : vector<16xf32>
      %mul3A_369 = arith.constant 2.000000e-01 : f32
      %mul3A_370 = vector.broadcast %mul3A_369 : f32 to vector<16xf32>
      %mul3A_371 = arith.mulf %add3A_365, %mul3A_370 : vector<16xf32>
      %select_n3A_372 = arith.select %ge3A_368, %add3A_365, %mul3A_371 : vector<16xi1>, vector<16xf32>
      %exp3A_373 = math.exp %select_n3A_372 : vector<16xf32>
      %jit3A_374 = arith.constant 0.000000e+00 : f32
      %broadcast_in_dim3A_375 = vector.broadcast %jit3A_374 : f32 to vector<16xf32>
      %select_n3A_376 = arith.select %broadcast_in_dim3A_252, %exp3A_373, %broadcast_in_dim3A_375 : vector<16xi1>, vector<16xf32>
      %bitcast3A_377 = vector.bitcast %get3A_362 : vector<16xi32> to vector<16xf32>
      %get3A_378 = arith.constant 1 : i32
      %get3A_379 = arith.index_cast %get3A_378 : i32 to index
      %get3A_380 = arith.constant 80 : index
      %get3A_381 = tpu.vector_load %arg9[%get3A_379, %get3A_380] {strides = array<i32>} : memref<2x128xi32, #tpu.memory_space<vmem>>, vector<16xi32>,
      %get3A_382 = arith.constant 1 : i32
      %get3A_383 = arith.index_cast %get3A_382 : i32 to index
      %get3A_384 = arith.constant 80 : index
      %get3A_385 = tpu.vector_load %arg10[%get3A_383, %get3A_384] {strides = array<i32>} : memref<2x128xi32, #tpu.memory_space<vmem>>, vector<16xi32>,
      %gather3A_386 = tpu.vector_load_idx %arg7[%get3A_381] : memref<10000xf32, #tpu.memory_space<vmem>>[vector<16xi32>], vector<16xf32>,
      %gather3A_387 = tpu.vector_load_idx %arg8[%get3A_385] : memref<10000xf32, #tpu.memory_space<vmem>>[vector<16xi32>], vector<16xf32>,
      %add3A_388 = arith.addf %gather3A_386, %gather3A_387 : vector<16xf32>
      %ge3A_389 = arith.constant 0.000000e+00 : f32
      %ge3A_390 = vector.broadcast %ge3A_389 : f32 to vector<16xf32>
      %ge3A_391 = arith.cmpf oge, %add3A_388, %ge3A_390 : vector<16xf32>
      %mul3A_392 = arith.constant 2.000000e-01 : f32
      %mul3A_393 = vector.broadcast %mul3A_392 : f32 to vector<16xf32>
      %mul3A_394 = arith.mulf %add3A_388, %mul3A_393 : vector<16xf32>
      %select_n3A_395 = arith.select %ge3A_391, %add3A_388, %mul3A_394 : vector<16xi1>, vector<16xf32>
      %exp3A_396 = math.exp %select_n3A_395 : vector<16xf32>
      %jit3A_397 = arith.constant 0.000000e+00 : f32
      %broadcast_in_dim3A_398 = vector.broadcast %jit3A_397 : f32 to vector<16xf32>
      %select_n3A_399 = arith.select %broadcast_in_dim3A_252, %exp3A_396, %broadcast_in_dim3A_398 : vector<16xi1>, vector<16xf32>
      %bitcast3A_400 = vector.bitcast %get3A_385 : vector<16xi32> to vector<16xf32>
      %get3A_401 = arith.constant 1 : i32
      %get3A_402 = arith.index_cast %get3A_401 : i32 to index
      %get3A_403 = arith.constant 96 : index
      %get3A_404 = tpu.vector_load %arg9[%get3A_402, %get3A_403] {strides = array<i32>} : memref<2x128xi32, #tpu.memory_space<vmem>>, vector<16xi32>,
      %get3A_405 = arith.constant 1 : i32
      %get3A_406 = arith.index_cast %get3A_405 : i32 to index
      %get3A_407 = arith.constant 96 : index
      %get3A_408 = tpu.vector_load %arg10[%get3A_406, %get3A_407] {strides = array<i32>} : memref<2x128xi32, #tpu.memory_space<vmem>>, vector<16xi32>,
      %gather3A_409 = tpu.vector_load_idx %arg7[%get3A_404] : memref<10000xf32, #tpu.memory_space<vmem>>[vector<16xi32>], vector<16xf32>,
      %gather3A_410 = tpu.vector_load_idx %arg8[%get3A_408] : memref<10000xf32, #tpu.memory_space<vmem>>[vector<16xi32>], vector<16xf32>,
      %add3A_411 = arith.addf %gather3A_409, %gather3A_410 : vector<16xf32>
      %ge3A_412 = arith.constant 0.000000e+00 : f32
      %ge3A_413 = vector.broadcast %ge3A_412 : f32 to vector<16xf32>
      %ge3A_414 = arith.cmpf oge, %add3A_411, %ge3A_413 : vector<16xf32>
      %mul3A_415 = arith.constant 2.000000e-01 : f32
      %mul3A_416 = vector.broadcast %mul3A_415 : f32 to vector<16xf32>
      %mul3A_417 = arith.mulf %add3A_411, %mul3A_416 : vector<16xf32>
      %select_n3A_418 = arith.select %ge3A_414, %add3A_411, %mul3A_417 : vector<16xi1>, vector<16xf32>
      %exp3A_419 = math.exp %select_n3A_418 : vector<16xf32>
      %jit3A_420 = arith.constant 0.000000e+00 : f32
      %broadcast_in_dim3A_421 = vector.broadcast %jit3A_420 : f32 to vector<16xf32>
      %select_n3A_422 = arith.select %broadcast_in_dim3A_252, %exp3A_419, %broadcast_in_dim3A_421 : vector<16xi1>, vector<16xf32>
      %bitcast3A_423 = vector.bitcast %get3A_408 : vector<16xi32> to vector<16xf32>
      %get3A_424 = arith.constant 1 : i32
      %get3A_425 = arith.index_cast %get3A_424 : i32 to index
      %get3A_426 = arith.constant 112 : index
      %get3A_427 = tpu.vector_load %arg9[%get3A_425, %get3A_426] {strides = array<i32>} : memref<2x128xi32, #tpu.memory_space<vmem>>, vector<16xi32>,
      %get3A_428 = arith.constant 1 : i32
      %get3A_429 = arith.index_cast %get3A_428 : i32 to index
      %get3A_430 = arith.constant 112 : index
      %get3A_431 = tpu.vector_load %arg10[%get3A_429, %get3A_430] {strides = array<i32>} : memref<2x128xi32, #tpu.memory_space<vmem>>, vector<16xi32>,
      %gather3A_432 = tpu.vector_load_idx %arg7[%get3A_427] : memref<10000xf32, #tpu.memory_space<vmem>>[vector<16xi32>], vector<16xf32>,
      %gather3A_433 = tpu.vector_load_idx %arg8[%get3A_431] : memref<10000xf32, #tpu.memory_space<vmem>>[vector<16xi32>], vector<16xf32>,
      %add3A_434 = arith.addf %gather3A_432, %gather3A_433 : vector<16xf32>
      %ge3A_435 = arith.constant 0.000000e+00 : f32
      %ge3A_436 = vector.broadcast %ge3A_435 : f32 to vector<16xf32>
      %ge3A_437 = arith.cmpf oge, %add3A_434, %ge3A_436 : vector<16xf32>
      %mul3A_438 = arith.constant 2.000000e-01 : f32
      %mul3A_439 = vector.broadcast %mul3A_438 : f32 to vector<16xf32>
      %mul3A_440 = arith.mulf %add3A_434, %mul3A_439 : vector<16xf32>
      %select_n3A_441 = arith.select %ge3A_437, %add3A_434, %mul3A_440 : vector<16xi1>, vector<16xf32>
      %exp3A_442 = math.exp %select_n3A_441 : vector<16xf32>
      %jit3A_443 = arith.constant 0.000000e+00 : f32
      %broadcast_in_dim3A_444 = vector.broadcast %jit3A_443 : f32 to vector<16xf32>
      %select_n3A_445 = arith.select %broadcast_in_dim3A_252, %exp3A_442, %broadcast_in_dim3A_444 : vector<16xi1>, vector<16xf32>
      %bitcast3A_446 = vector.bitcast %get3A_431 : vector<16xi32> to vector<16xf32>
    }
    %scan3A_27 = arith.constant 80 : i32
    %run_scoped3A = arith.constant 0 : i32
    "tpu.region"() ({
      %run_scoped3A_29 = tpu.sem_alloc : memref<!tpu.dma_semaphore, #tpu.memory_space<semaphore_mem>>
      %dma_start3A = arith.constant 0 : i32
      %dma_start3A_30 = tpu.memref_slice %arg6[%arg0, %arg1, %run_scoped3A, %dma_start3A] : memref<2x16x2x46096xf32, #tpu.memory_space<hbm>> -> memref<1x1x1x46096xf32, #tpu.memory_space<hbm>>
      %dma_start3A_31 = tpu.memref_squeeze %dma_start3A_30 : memref<1x1x1x46096xf32, #tpu.memory_space<hbm>> -> memref<46096xf32, #tpu.memory_space<hbm>>
      %dma_start3A_32 = arith.constant 0 : i32
      %dma_start3A_33 = tpu.memref_slice %arg6[%arg0, %arg1, %run_scoped3A, %dma_start3A_32] : memref<2x16x2x46096xf32, #tpu.memory_space<hbm>> -> memref<1x1x1x46096xf32, #tpu.memory_space<hbm>>
      %dma_start3A_34 = tpu.memref_squeeze %dma_start3A_33 : memref<1x1x1x46096xf32, #tpu.memory_space<hbm>> -> memref<46096xf32, #tpu.memory_space<hbm>>
      tpu.enqueue_dma source(%arg12 : memref<46096xf32, #tpu.memory_space<vmem>>) target(%dma_start3A_34 : memref<46096xf32, #tpu.memory_space<hbm>>) target_semaphore(%run_scoped3A_29 : memref<!tpu.dma_semaphore, #tpu.memory_space<semaphore_mem>>)
      %dma_wait3A = arith.constant 0 : i32
      %dma_wait3A_35 = tpu.memref_slice %arg6[%arg0, %arg1, %run_scoped3A, %dma_wait3A] : memref<2x16x2x46096xf32, #tpu.memory_space<hbm>> -> memref<1x1x1x46096xf32, #tpu.memory_space<hbm>>
      %dma_wait3A_36 = tpu.memref_squeeze %dma_wait3A_35 : memref<1x1x1x46096xf32, #tpu.memory_space<hbm>> -> memref<46096xf32, #tpu.memory_space<hbm>>
      %dma_wait3A_37 = arith.constant 0 : i32
      %dma_wait3A_38 = tpu.memref_slice %arg6[%arg0, %arg1, %run_scoped3A, %dma_wait3A_37] : memref<2x16x2x46096xf32, #tpu.memory_space<hbm>> -> memref<1x1x1x46096xf32, #tpu.memory_space<hbm>>
      %dma_wait3A_39 = tpu.memref_squeeze %dma_wait3A_38 : memref<1x1x1x46096xf32, #tpu.memory_space<hbm>> -> memref<46096xf32, #tpu.memory_space<hbm>>
      tpu.wait_dma2 semaphore(%run_scoped3A_29 : memref<!tpu.dma_semaphore, #tpu.memory_space<semaphore_mem>>) src(%arg12 : memref<46096xf32, #tpu.memory_space<vmem>>) dst(%dma_wait3A_39 : memref<46096xf32, #tpu.memory_space<hbm>>)
      tpu.yield
    }) : () -> ()
    %run_scoped3A_28 = arith.constant 1 : i32
    "tpu.region"() ({
      %run_scoped3A_29 = tpu.sem_alloc : memref<!tpu.dma_semaphore, #tpu.memory_space<semaphore_mem>>
      %dma_start3A = arith.constant 0 : i32
      %dma_start3A_30 = tpu.memref_slice %arg6[%arg0, %arg1, %run_scoped3A_28, %dma_start3A] : memref<2x16x2x46096xf32, #tpu.memory_space<hbm>> -> memref<1x1x1x46096xf32, #tpu.memory_space<hbm>>
      %dma_start3A_31 = tpu.memref_squeeze %dma_start3A_30 : memref<1x1x1x46096xf32, #tpu.memory_space<hbm>> -> memref<46096xf32, #tpu.memory_space<hbm>>
      %dma_start3A_32 = arith.constant 0 : i32
      %dma_start3A_33 = tpu.memref_slice %arg6[%arg0, %arg1, %run_scoped3A_28, %dma_start3A_32] : memref<2x16x2x46096xf32, #tpu.memory_space<hbm>> -> memref<1x1x1x46096xf32, #tpu.memory_space<hbm>>
      %dma_start3A_34 = tpu.memref_squeeze %dma_start3A_33 : memref<1x1x1x46096xf32, #tpu.memory_space<hbm>> -> memref<46096xf32, #tpu.memory_space<hbm>>
      tpu.enqueue_dma source(%arg13 : memref<46096xf32, #tpu.memory_space<vmem>>) target(%dma_start3A_34 : memref<46096xf32, #tpu.memory_space<hbm>>) target_semaphore(%run_scoped3A_29 : memref<!tpu.dma_semaphore, #tpu.memory_space<semaphore_mem>>)
      %dma_wait3A = arith.constant 0 : i32
      %dma_wait3A_35 = tpu.memref_slice %arg6[%arg0, %arg1, %run_scoped3A_28, %dma_wait3A] : memref<2x16x2x46096xf32, #tpu.memory_space<hbm>> -> memref<1x1x1x46096xf32, #tpu.memory_space<hbm>>
      %dma_wait3A_36 = tpu.memref_squeeze %dma_wait3A_35 : memref<1x1x1x46096xf32, #tpu.memory_space<hbm>> -> memref<46096xf32, #tpu.memory_space<hbm>>
      %dma_wait3A_37 = arith.constant 0 : i32
      %dma_wait3A_38 = tpu.memref_slice %arg6[%arg0, %arg1, %run_scoped3A_28, %dma_wait3A_37] : memref<2x16x2x46096xf32, #tpu.memory_space<hbm>> -> memref<1x1x1x46096xf32, #tpu.memory_space<hbm>>
      %dma_wait3A_39 = tpu.memref_squeeze %dma_wait3A_38 : memref<1x1x1x46096xf32, #tpu.memory_space<hbm>> -> memref<46096xf32, #tpu.memory_space<hbm>>
      tpu.wait_dma2 semaphore(%run_scoped3A_29 : memref<!tpu.dma_semaphore, #tpu.memory_space<semaphore_mem>>) src(%arg13 : memref<46096xf32, #tpu.memory_space<vmem>>) dst(%dma_wait3A_39 : memref<46096xf32, #tpu.memory_space<hbm>>)
      tpu.yield
    }) : () -> ()
    return
  }
}

#map = affine_map<(d0, d1) -> (0, 0)>
#map1 = affine_map<(d0, d1) -> (0, 0, 0, 0)>
module attributes {stable_mosaic.version = 14 : i64} {
  func.func @_edge_body(%arg0: i32, %arg1: i32, %arg2: memref<10000x16xf32, #tpu.memory_space<hbm>>, %arg3: memref<4x10000xf32, #tpu.memory_space<hbm>>, %arg4: memref<2560x128xi32, #tpu.memory_space<hbm>>, %arg5: memref<2560x128xi32, #tpu.memory_space<hbm>>, %arg6: memref<2x16x2x46096xf32, #tpu.memory_space<hbm>>, %arg7: memref<10000xf32, #tpu.memory_space<vmem>>, %arg8: memref<10000xf32, #tpu.memory_space<vmem>>, %arg9: memref<2x128xi32, #tpu.memory_space<vmem>>, %arg10: memref<2x128xi32, #tpu.memory_space<vmem>>, %arg11: memref<256x16xf32, #tpu.memory_space<vmem>>, %arg12: memref<46096xf32, #tpu.memory_space<vmem>>, %arg13: memref<46096xf32, #tpu.memory_space<vmem>>, %arg14: memref<!tpu.dma_semaphore, #tpu.memory_space<semaphore_mem>>) attributes {dimension_semantics = [#tpu.dimension_semantics<core_parallel>, #tpu.dimension_semantics<subcore_parallel>], iteration_bounds = array<i64: 2, 16>, scalar_prefetch = 0 : i64, scratch_operands = 8 : i64, tpu.core_type = #tpu.core_type<sc_vector_subcore>, window_params = [{transform_indices = #map}, {transform_indices = #map}, {transform_indices = #map}, {transform_indices = #map}, {transform_indices = #map1}]} {
    "tpu.region"() ({
      %run_scoped3A_29 = tpu.sem_alloc : memref<!tpu.dma_semaphore, #tpu.memory_space<semaphore_mem>>
      %dma_start3A = arith.constant 0 : i32
      %dma_start3A_30 = tpu.memref_slice %arg3[%arg0, %dma_start3A] : memref<4x10000xf32, #tpu.memory_space<hbm>> -> memref<1x10000xf32, #tpu.memory_space<hbm>>
      %dma_start3A_31 = tpu.memref_squeeze %dma_start3A_30 : memref<1x10000xf32, #tpu.memory_space<hbm>> -> memref<10000xf32, #tpu.memory_space<hbm>>
      %dma_start3A_32 = arith.constant 0 : i32
      %dma_start3A_33 = tpu.memref_slice %arg3[%arg0, %dma_start3A_32] : memref<4x10000xf32, #tpu.memory_space<hbm>> -> memref<1x10000xf32, #tpu.memory_space<hbm>>
      %dma_start3A_34 = tpu.memref_squeeze %dma_start3A_33 : memref<1x10000xf32, #tpu.memory_space<hbm>> -> memref<10000xf32, #tpu.memory_space<hbm>>
      tpu.enqueue_dma source(%dma_start3A_34 : memref<10000xf32, #tpu.memory_space<hbm>>) target(%arg7 : memref<10000xf32, #tpu.memory_space<vmem>>) target_semaphore(%run_scoped3A_29 : memref<!tpu.dma_semaphore, #tpu.memory_space<semaphore_mem>>)
      %dma_wait3A = arith.constant 0 : i32
      %dma_wait3A_35 = tpu.memref_slice %arg3[%arg0, %dma_wait3A] : memref<4x10000xf32, #tpu.memory_space<hbm>> -> memref<1x10000xf32, #tpu.memory_space<hbm>>
      %dma_wait3A_36 = tpu.memref_squeeze %dma_wait3A_35 : memref<1x10000xf32, #tpu.memory_space<hbm>> -> memref<10000xf32, #tpu.memory_space<hbm>>
      %dma_wait3A_37 = arith.constant 0 : i32
      %dma_wait3A_38 = tpu.memref_slice %arg3[%arg0, %dma_wait3A_37] : memref<4x10000xf32, #tpu.memory_space<hbm>> -> memref<1x10000xf32, #tpu.memory_space<hbm>>
      %dma_wait3A_39 = tpu.memref_squeeze %dma_wait3A_38 : memref<1x10000xf32, #tpu.memory_space<hbm>> -> memref<10000xf32, #tpu.memory_space<hbm>>
      tpu.wait_dma2 semaphore(%run_scoped3A_29 : memref<!tpu.dma_semaphore, #tpu.memory_space<semaphore_mem>>) src(%dma_wait3A_39 : memref<10000xf32, #tpu.memory_space<hbm>>) dst(%arg7 : memref<10000xf32, #tpu.memory_space<vmem>>)
      tpu.yield
    }) : () -> ()
    %add3A = arith.constant 2 : i32
    %add3A_0 = arith.addi %add3A, %arg0 : i32
    "tpu.region"() ({
      %run_scoped3A_29 = tpu.sem_alloc : memref<!tpu.dma_semaphore, #tpu.memory_space<semaphore_mem>>
      %dma_start3A = arith.constant 0 : i32
      %dma_start3A_30 = tpu.memref_slice %arg3[%add3A_0, %dma_start3A] : memref<4x10000xf32, #tpu.memory_space<hbm>> -> memref<1x10000xf32, #tpu.memory_space<hbm>>
      %dma_start3A_31 = tpu.memref_squeeze %dma_start3A_30 : memref<1x10000xf32, #tpu.memory_space<hbm>> -> memref<10000xf32, #tpu.memory_space<hbm>>
      %dma_start3A_32 = arith.constant 0 : i32
      %dma_start3A_33 = tpu.memref_slice %arg3[%add3A_0, %dma_start3A_32] : memref<4x10000xf32, #tpu.memory_space<hbm>> -> memref<1x10000xf32, #tpu.memory_space<hbm>>
      %dma_start3A_34 = tpu.memref_squeeze %dma_start3A_33 : memref<1x10000xf32, #tpu.memory_space<hbm>> -> memref<10000xf32, #tpu.memory_space<hbm>>
      tpu.enqueue_dma source(%dma_start3A_34 : memref<10000xf32, #tpu.memory_space<hbm>>) target(%arg8 : memref<10000xf32, #tpu.memory_space<vmem>>) target_semaphore(%run_scoped3A_29 : memref<!tpu.dma_semaphore, #tpu.memory_space<semaphore_mem>>)
      %dma_wait3A = arith.constant 0 : i32
      %dma_wait3A_35 = tpu.memref_slice %arg3[%add3A_0, %dma_wait3A] : memref<4x10000xf32, #tpu.memory_space<hbm>> -> memref<1x10000xf32, #tpu.memory_space<hbm>>
      %dma_wait3A_36 = tpu.memref_squeeze %dma_wait3A_35 : memref<1x10000xf32, #tpu.memory_space<hbm>> -> memref<10000xf32, #tpu.memory_space<hbm>>
      %dma_wait3A_37 = arith.constant 0 : i32
      %dma_wait3A_38 = tpu.memref_slice %arg3[%add3A_0, %dma_wait3A_37] : memref<4x10000xf32, #tpu.memory_space<hbm>> -> memref<1x10000xf32, #tpu.memory_space<hbm>>
      %dma_wait3A_39 = tpu.memref_squeeze %dma_wait3A_38 : memref<1x10000xf32, #tpu.memory_space<hbm>> -> memref<10000xf32, #tpu.memory_space<hbm>>
      tpu.wait_dma2 semaphore(%run_scoped3A_29 : memref<!tpu.dma_semaphore, #tpu.memory_space<semaphore_mem>>) src(%dma_wait3A_39 : memref<10000xf32, #tpu.memory_space<hbm>>) dst(%arg8 : memref<10000xf32, #tpu.memory_space<vmem>>)
      tpu.yield
    }) : () -> ()
    %broadcast_in_dim3A = arith.constant 0.000000e+00 : f32
    %broadcast_in_dim3A_1 = vector.broadcast %broadcast_in_dim3A : f32 to vector<16xf32>
    %scan3A = arith.constant 0 : i32
    %scan3A_2 = arith.constant 0 : i32
    %scan3A_3 = arith.constant 2881 : i32
    %scan3A_4 = arith.addi %scan3A_2, %scan3A_3 : i32
    %scan3A_5 = arith.constant 1 : i32
    scf.for %scan3A_29 = %scan3A_2 to %scan3A_4 step %scan3A_5  : i32 {
      %mul3A_30 = arith.constant 16 : i32
      %mul3A_31 = arith.muli %scan3A_29, %mul3A_30 : i32
      %swap3A = arith.index_cast %mul3A_31 : i32 to index
      %swap3A_32 = tpu.vector_load %arg12[%swap3A] {strides = array<i32>} : memref<46096xf32, #tpu.memory_space<vmem>>, vector<16xf32>,
      tpu.vector_store %arg12[%swap3A], %broadcast_in_dim3A_1 {strides = array<i32>} : memref<46096xf32, #tpu.memory_space<vmem>>, vector<16xf32>,
      %mul3A_33 = arith.constant 16 : i32
      %mul3A_34 = arith.muli %scan3A_29, %mul3A_33 : i32
      %swap3A_35 = arith.index_cast %mul3A_34 : i32 to index
      %swap3A_36 = tpu.vector_load %arg13[%swap3A_35] {strides = array<i32>} : memref<46096xf32, #tpu.memory_space<vmem>>, vector<16xf32>,
      tpu.vector_store %arg13[%swap3A_35], %broadcast_in_dim3A_1 {strides = array<i32>} : memref<46096xf32, #tpu.memory_space<vmem>>, vector<16xf32>,
    }
    %scan3A_6 = arith.constant 2881 : i32
    %iota3A = tpu.iota {dimensions = array<i32: 0>} : vector<16xi32>
    %mul3A = arith.constant 8 : i32
    %mul3A_7 = arith.muli %arg0, %mul3A : i32
    %ge3A = vector.broadcast %mul3A_7 : i32 to vector<16xi32>
    %ge3A_8 = arith.cmpi sge, %iota3A, %ge3A : vector<16xi32>
    %add3A_9 = arith.constant 8 : i32
    %add3A_10 = arith.addi %mul3A_7, %add3A_9 : i32
    %lt3A = vector.broadcast %add3A_10 : i32 to vector<16xi32>
    %lt3A_11 = arith.cmpi slt, %iota3A, %lt3A : vector<16xi32>
    %and3A = arith.andi %ge3A_8, %lt3A_11 : vector<16xi1>
    %sub3A = arith.constant 1 : i32
    %sub3A_12 = arith.subi %sub3A, %arg0 : i32
    %mul3A_13 = arith.constant 8 : i32
    %mul3A_14 = arith.muli %mul3A_13, %sub3A_12 : i32
    %eq3A = vector.broadcast %mul3A_14 : i32 to vector<16xi32>
    %eq3A_15 = arith.cmpi eq, %iota3A, %eq3A : vector<16xi32>
    %or3A = arith.ori %and3A, %eq3A_15 : vector<16xi1>
    %sub3A_16 = vector.broadcast %mul3A_7 : i32 to vector<16xi32>
    %sub3A_17 = arith.subi %iota3A, %sub3A_16 : vector<16xi32>
    %jit3A = arith.constant 8 : i32
    %broadcast_in_dim3A_18 = vector.broadcast %jit3A : i32 to vector<16xi32>
    %select_n3A = arith.select %and3A, %sub3A_17, %broadcast_in_dim3A_18 : vector<16xi1>, vector<16xi32>
    %add3A_19 = arith.constant 46080 : i32
    %add3A_20 = vector.broadcast %add3A_19 : i32 to vector<16xi32>
    %add3A_21 = arith.addi %add3A_20, %iota3A : vector<16xi32>
    %scan3A_22 = arith.constant 0 : i32
    %scan3A_23 = arith.constant 0 : i32
    %scan3A_24 = arith.constant 80 : i32
    %scan3A_25 = arith.addi %scan3A_23, %scan3A_24 : i32
    %scan3A_26 = arith.constant 1 : i32
    scf.for %scan3A_29 = %scan3A_23 to %scan3A_25 step %scan3A_26  : i32 {
      %mul3A_30 = arith.constant 160 : i32
      %mul3A_31 = arith.muli %arg1, %mul3A_30 : i32
      %mul3A_32 = arith.constant 2 : i32
      %mul3A_33 = arith.muli %scan3A_29, %mul3A_32 : i32
      %add3A_34 = arith.addi %mul3A_31, %mul3A_33 : i32
      "tpu.region"() ({
        %run_scoped3A_447 = tpu.sem_alloc : memref<!tpu.dma_semaphore, #tpu.memory_space<semaphore_mem>>
        %dma_start3A_448 = arith.constant 0 : i32
        %dma_start3A_449 = tpu.memref_slice %arg4[%add3A_34, %dma_start3A_448] : memref<2560x128xi32, #tpu.memory_space<hbm>> -> memref<2x128xi32, #tpu.memory_space<hbm>>
        %dma_start3A_450 = arith.constant 0 : i32
        %dma_start3A_451 = tpu.memref_slice %arg4[%add3A_34, %dma_start3A_450] : memref<2560x128xi32, #tpu.memory_space<hbm>> -> memref<2x128xi32, #tpu.memory_space<hbm>>
        tpu.enqueue_dma source(%dma_start3A_451 : memref<2x128xi32, #tpu.memory_space<hbm>>) target(%arg9 : memref<2x128xi32, #tpu.memory_space<vmem>>) target_semaphore(%run_scoped3A_447 : memref<!tpu.dma_semaphore, #tpu.memory_space<semaphore_mem>>)
        %dma_wait3A_452 = arith.constant 0 : i32
        %dma_wait3A_453 = tpu.memref_slice %arg4[%add3A_34, %dma_wait3A_452] : memref<2560x128xi32, #tpu.memory_space<hbm>> -> memref<2x128xi32, #tpu.memory_space<hbm>>
        %dma_wait3A_454 = arith.constant 0 : i32
        %dma_wait3A_455 = tpu.memref_slice %arg4[%add3A_34, %dma_wait3A_454] : memref<2560x128xi32, #tpu.memory_space<hbm>> -> memref<2x128xi32, #tpu.memory_space<hbm>>
        tpu.wait_dma2 semaphore(%run_scoped3A_447 : memref<!tpu.dma_semaphore, #tpu.memory_space<semaphore_mem>>) src(%dma_wait3A_455 : memref<2x128xi32, #tpu.memory_space<hbm>>) dst(%arg9 : memref<2x128xi32, #tpu.memory_space<vmem>>)
        tpu.yield
      }) : () -> ()
      "tpu.region"() ({
        %run_scoped3A_447 = tpu.sem_alloc : memref<!tpu.dma_semaphore, #tpu.memory_space<semaphore_mem>>
        %dma_start3A_448 = arith.constant 0 : i32
        %dma_start3A_449 = tpu.memref_slice %arg5[%add3A_34, %dma_start3A_448] : memref<2560x128xi32, #tpu.memory_space<hbm>> -> memref<2x128xi32, #tpu.memory_space<hbm>>
        %dma_start3A_450 = arith.constant 0 : i32
        %dma_start3A_451 = tpu.memref_slice %arg5[%add3A_34, %dma_start3A_450] : memref<2560x128xi32, #tpu.memory_space<hbm>> -> memref<2x128xi32, #tpu.memory_space<hbm>>
        tpu.enqueue_dma source(%dma_start3A_451 : memref<2x128xi32, #tpu.memory_space<hbm>>) target(%arg10 : memref<2x128xi32, #tpu.memory_space<vmem>>) target_semaphore(%run_scoped3A_447 : memref<!tpu.dma_semaphore, #tpu.memory_space<semaphore_mem>>)
        %dma_wait3A_452 = arith.constant 0 : i32
        %dma_wait3A_453 = tpu.memref_slice %arg5[%add3A_34, %dma_wait3A_452] : memref<2560x128xi32, #tpu.memory_space<hbm>> -> memref<2x128xi32, #tpu.memory_space<hbm>>
        %dma_wait3A_454 = arith.constant 0 : i32
        %dma_wait3A_455 = tpu.memref_slice %arg5[%add3A_34, %dma_wait3A_454] : memref<2560x128xi32, #tpu.memory_space<hbm>> -> memref<2x128xi32, #tpu.memory_space<hbm>>
        tpu.wait_dma2 semaphore(%run_scoped3A_447 : memref<!tpu.dma_semaphore, #tpu.memory_space<semaphore_mem>>) src(%dma_wait3A_455 : memref<2x128xi32, #tpu.memory_space<hbm>>) dst(%arg10 : memref<2x128xi32, #tpu.memory_space<vmem>>)
        tpu.yield
      }) : () -> ()
      %dma_start3A = arith.constant 0 : i32
      %dma_start3A_35 = arith.constant 0 : i32
      %dma_start3A_36 = arith.constant 0 : i32
      %dma_start3A_37 = tpu.memref_slice %arg11[%dma_start3A_35, %dma_start3A_36] : memref<256x16xf32, #tpu.memory_space<vmem>> -> memref<128x16xf32, #tpu.memory_space<vmem>>
      %dma_start3A_38 = arith.constant 0 : i32
      %dma_start3A_39 = tpu.memref_slice %arg9[%dma_start3A, %dma_start3A_38] : memref<2x128xi32, #tpu.memory_space<vmem>> -> memref<1x128xi32, #tpu.memory_space<vmem>>
      %dma_start3A_40 = tpu.memref_squeeze %dma_start3A_39 : memref<1x128xi32, #tpu.memory_space<vmem>> -> memref<128xi32, #tpu.memory_space<vmem>>
      %dma_start3A_41 = arith.constant 0 : i32
      %dma_start3A_42 = arith.constant 0 : i32
      %dma_start3A_43 = tpu.memref_slice %arg2[%dma_start3A_41, %dma_start3A_42] : memref<10000x16xf32, #tpu.memory_space<hbm>> -> memref<10000x16xf32, #tpu.memory_space<hbm>>
      tpu.enqueue_indirect_dma source(%dma_start3A_43 : memref<10000x16xf32, #tpu.memory_space<hbm>>) target(%dma_start3A_37 : memref<128x16xf32, #tpu.memory_space<vmem>>) offsets(%dma_start3A_40 : memref<128xi32, #tpu.memory_space<vmem>>) semaphore(%arg14 : memref<!tpu.dma_semaphore, #tpu.memory_space<semaphore_mem>>)
      %dma_start3A_44 = arith.constant 1 : i32
      %dma_start3A_45 = arith.constant 128 : i32
      %dma_start3A_46 = arith.constant 0 : i32
      %dma_start3A_47 = tpu.memref_slice %arg11[%dma_start3A_45, %dma_start3A_46] : memref<256x16xf32, #tpu.memory_space<vmem>> -> memref<128x16xf32, #tpu.memory_space<vmem>>
      %dma_start3A_48 = arith.constant 0 : i32
      %dma_start3A_49 = tpu.memref_slice %arg9[%dma_start3A_44, %dma_start3A_48] : memref<2x128xi32, #tpu.memory_space<vmem>> -> memref<1x128xi32, #tpu.memory_space<vmem>>
      %dma_start3A_50 = tpu.memref_squeeze %dma_start3A_49 : memref<1x128xi32, #tpu.memory_space<vmem>> -> memref<128xi32, #tpu.memory_space<vmem>>
      %dma_start3A_51 = arith.constant 0 : i32
      %dma_start3A_52 = arith.constant 0 : i32
      %dma_start3A_53 = tpu.memref_slice %arg2[%dma_start3A_51, %dma_start3A_52] : memref<10000x16xf32, #tpu.memory_space<hbm>> -> memref<10000x16xf32, #tpu.memory_space<hbm>>
      tpu.enqueue_indirect_dma source(%dma_start3A_53 : memref<10000x16xf32, #tpu.memory_space<hbm>>) target(%dma_start3A_47 : memref<128x16xf32, #tpu.memory_space<vmem>>) offsets(%dma_start3A_50 : memref<128xi32, #tpu.memory_space<vmem>>) semaphore(%arg14 : memref<!tpu.dma_semaphore, #tpu.memory_space<semaphore_mem>>)
      %add3A_54 = arith.constant 0 : i32
      %add3A_55 = arith.addi %add3A_34, %add3A_54 : i32
      %lt3A_56 = arith.constant 2500 : i32
      %lt3A_57 = arith.cmpi slt, %add3A_55, %lt3A_56 : i32
      %broadcast_in_dim3A_58 = vector.broadcast %lt3A_57 : i1 to vector<16xi1>
      %dma_wait3A = arith.constant 0 : i32
      %dma_wait3A_59 = arith.constant 0 : i32
      %dma_wait3A_60 = arith.constant 0 : i32
      %dma_wait3A_61 = tpu.memref_slice %arg11[%dma_wait3A_59, %dma_wait3A_60] : memref<256x16xf32, #tpu.memory_space<vmem>> -> memref<128x16xf32, #tpu.memory_space<vmem>>
      %dma_wait3A_62 = arith.constant 0 : i32
      %dma_wait3A_63 = tpu.memref_slice %arg9[%dma_wait3A, %dma_wait3A_62] : memref<2x128xi32, #tpu.memory_space<vmem>> -> memref<1x128xi32, #tpu.memory_space<vmem>>
      %dma_wait3A_64 = tpu.memref_squeeze %dma_wait3A_63 : memref<1x128xi32, #tpu.memory_space<vmem>> -> memref<128xi32, #tpu.memory_space<vmem>>
      %dma_wait3A_65 = arith.constant 0 : i32
      %dma_wait3A_66 = arith.constant 0 : i32
      %dma_wait3A_67 = tpu.memref_slice %arg2[%dma_wait3A_65, %dma_wait3A_66] : memref<10000x16xf32, #tpu.memory_space<hbm>> -> memref<10000x16xf32, #tpu.memory_space<hbm>>
      tpu.wait_indirect_dma semaphore(%arg14 : memref<!tpu.dma_semaphore, #tpu.memory_space<semaphore_mem>>) src(%dma_wait3A_67 : memref<10000x16xf32, #tpu.memory_space<hbm>>) dst(%dma_wait3A_61 : memref<128x16xf32, #tpu.memory_space<vmem>>)
      %get3A = arith.constant 0 : i32
      %get3A_68 = arith.index_cast %get3A : i32 to index
      %get3A_69 = arith.constant 0 : index
      %get3A_70 = tpu.vector_load %arg9[%get3A_68, %get3A_69] {strides = array<i32>} : memref<2x128xi32, #tpu.memory_space<vmem>>, vector<16xi32>,
      %get3A_71 = arith.constant 0 : i32
      %get3A_72 = arith.index_cast %get3A_71 : i32 to index
      %get3A_73 = arith.constant 0 : index
      %get3A_74 = tpu.vector_load %arg10[%get3A_72, %get3A_73] {strides = array<i32>} : memref<2x128xi32, #tpu.memory_space<vmem>>, vector<16xi32>,
      %gather3A = tpu.vector_load_idx %arg7[%get3A_70] : memref<10000xf32, #tpu.memory_space<vmem>>[vector<16xi32>], vector<16xf32>,
      %gather3A_75 = tpu.vector_load_idx %arg8[%get3A_74] : memref<10000xf32, #tpu.memory_space<vmem>>[vector<16xi32>], vector<16xf32>,
      %add3A_76 = arith.addf %gather3A, %gather3A_75 : vector<16xf32>
      %ge3A_77 = arith.constant 0.000000e+00 : f32
      %ge3A_78 = vector.broadcast %ge3A_77 : f32 to vector<16xf32>
      %ge3A_79 = arith.cmpf oge, %add3A_76, %ge3A_78 : vector<16xf32>
      %mul3A_80 = arith.constant 2.000000e-01 : f32
      %mul3A_81 = vector.broadcast %mul3A_80 : f32 to vector<16xf32>
      %mul3A_82 = arith.mulf %add3A_76, %mul3A_81 : vector<16xf32>
      %select_n3A_83 = arith.select %ge3A_79, %add3A_76, %mul3A_82 : vector<16xi1>, vector<16xf32>
      %exp3A = math.exp %select_n3A_83 : vector<16xf32>
      %jit3A_84 = arith.constant 0.000000e+00 : f32
      %broadcast_in_dim3A_85 = vector.broadcast %jit3A_84 : f32 to vector<16xf32>
      %select_n3A_86 = arith.select %broadcast_in_dim3A_58, %exp3A, %broadcast_in_dim3A_85 : vector<16xi1>, vector<16xf32>
      %bitcast3A = vector.bitcast %get3A_74 : vector<16xi32> to vector<16xf32>
      %get3A_87 = arith.constant 0 : i32
      %get3A_88 = arith.index_cast %get3A_87 : i32 to index
      %get3A_89 = arith.constant 16 : index
      %get3A_90 = tpu.vector_load %arg9[%get3A_88, %get3A_89] {strides = array<i32>} : memref<2x128xi32, #tpu.memory_space<vmem>>, vector<16xi32>,
      %get3A_91 = arith.constant 0 : i32
      %get3A_92 = arith.index_cast %get3A_91 : i32 to index
      %get3A_93 = arith.constant 16 : index
      %get3A_94 = tpu.vector_load %arg10[%get3A_92, %get3A_93] {strides = array<i32>} : memref<2x128xi32, #tpu.memory_space<vmem>>, vector<16xi32>,
      %gather3A_95 = tpu.vector_load_idx %arg7[%get3A_90] : memref<10000xf32, #tpu.memory_space<vmem>>[vector<16xi32>], vector<16xf32>,
      %gather3A_96 = tpu.vector_load_idx %arg8[%get3A_94] : memref<10000xf32, #tpu.memory_space<vmem>>[vector<16xi32>], vector<16xf32>,
      %add3A_97 = arith.addf %gather3A_95, %gather3A_96 : vector<16xf32>
      %ge3A_98 = arith.constant 0.000000e+00 : f32
      %ge3A_99 = vector.broadcast %ge3A_98 : f32 to vector<16xf32>
      %ge3A_100 = arith.cmpf oge, %add3A_97, %ge3A_99 : vector<16xf32>
      %mul3A_101 = arith.constant 2.000000e-01 : f32
      %mul3A_102 = vector.broadcast %mul3A_101 : f32 to vector<16xf32>
      %mul3A_103 = arith.mulf %add3A_97, %mul3A_102 : vector<16xf32>
      %select_n3A_104 = arith.select %ge3A_100, %add3A_97, %mul3A_103 : vector<16xi1>, vector<16xf32>
      %exp3A_105 = math.exp %select_n3A_104 : vector<16xf32>
      %jit3A_106 = arith.constant 0.000000e+00 : f32
      %broadcast_in_dim3A_107 = vector.broadcast %jit3A_106 : f32 to vector<16xf32>
      %select_n3A_108 = arith.select %broadcast_in_dim3A_58, %exp3A_105, %broadcast_in_dim3A_107 : vector<16xi1>, vector<16xf32>
      %bitcast3A_109 = vector.bitcast %get3A_94 : vector<16xi32> to vector<16xf32>
      %get3A_110 = arith.constant 0 : i32
      %get3A_111 = arith.index_cast %get3A_110 : i32 to index
      %get3A_112 = arith.constant 32 : index
      %get3A_113 = tpu.vector_load %arg9[%get3A_111, %get3A_112] {strides = array<i32>} : memref<2x128xi32, #tpu.memory_space<vmem>>, vector<16xi32>,
      %get3A_114 = arith.constant 0 : i32
      %get3A_115 = arith.index_cast %get3A_114 : i32 to index
      %get3A_116 = arith.constant 32 : index
      %get3A_117 = tpu.vector_load %arg10[%get3A_115, %get3A_116] {strides = array<i32>} : memref<2x128xi32, #tpu.memory_space<vmem>>, vector<16xi32>,
      %gather3A_118 = tpu.vector_load_idx %arg7[%get3A_113] : memref<10000xf32, #tpu.memory_space<vmem>>[vector<16xi32>], vector<16xf32>,
      %gather3A_119 = tpu.vector_load_idx %arg8[%get3A_117] : memref<10000xf32, #tpu.memory_space<vmem>>[vector<16xi32>], vector<16xf32>,
      %add3A_120 = arith.addf %gather3A_118, %gather3A_119 : vector<16xf32>
      %ge3A_121 = arith.constant 0.000000e+00 : f32
      %ge3A_122 = vector.broadcast %ge3A_121 : f32 to vector<16xf32>
      %ge3A_123 = arith.cmpf oge, %add3A_120, %ge3A_122 : vector<16xf32>
      %mul3A_124 = arith.constant 2.000000e-01 : f32
      %mul3A_125 = vector.broadcast %mul3A_124 : f32 to vector<16xf32>
      %mul3A_126 = arith.mulf %add3A_120, %mul3A_125 : vector<16xf32>
      %select_n3A_127 = arith.select %ge3A_123, %add3A_120, %mul3A_126 : vector<16xi1>, vector<16xf32>
      %exp3A_128 = math.exp %select_n3A_127 : vector<16xf32>
      %jit3A_129 = arith.constant 0.000000e+00 : f32
      %broadcast_in_dim3A_130 = vector.broadcast %jit3A_129 : f32 to vector<16xf32>
      %select_n3A_131 = arith.select %broadcast_in_dim3A_58, %exp3A_128, %broadcast_in_dim3A_130 : vector<16xi1>, vector<16xf32>
      %bitcast3A_132 = vector.bitcast %get3A_117 : vector<16xi32> to vector<16xf32>
      %get3A_133 = arith.constant 0 : i32
      %get3A_134 = arith.index_cast %get3A_133 : i32 to index
      %get3A_135 = arith.constant 48 : index
      %get3A_136 = tpu.vector_load %arg9[%get3A_134, %get3A_135] {strides = array<i32>} : memref<2x128xi32, #tpu.memory_space<vmem>>, vector<16xi32>,
      %get3A_137 = arith.constant 0 : i32
      %get3A_138 = arith.index_cast %get3A_137 : i32 to index
      %get3A_139 = arith.constant 48 : index
      %get3A_140 = tpu.vector_load %arg10[%get3A_138, %get3A_139] {strides = array<i32>} : memref<2x128xi32, #tpu.memory_space<vmem>>, vector<16xi32>,
      %gather3A_141 = tpu.vector_load_idx %arg7[%get3A_136] : memref<10000xf32, #tpu.memory_space<vmem>>[vector<16xi32>], vector<16xf32>,
      %gather3A_142 = tpu.vector_load_idx %arg8[%get3A_140] : memref<10000xf32, #tpu.memory_space<vmem>>[vector<16xi32>], vector<16xf32>,
      %add3A_143 = arith.addf %gather3A_141, %gather3A_142 : vector<16xf32>
      %ge3A_144 = arith.constant 0.000000e+00 : f32
      %ge3A_145 = vector.broadcast %ge3A_144 : f32 to vector<16xf32>
      %ge3A_146 = arith.cmpf oge, %add3A_143, %ge3A_145 : vector<16xf32>
      %mul3A_147 = arith.constant 2.000000e-01 : f32
      %mul3A_148 = vector.broadcast %mul3A_147 : f32 to vector<16xf32>
      %mul3A_149 = arith.mulf %add3A_143, %mul3A_148 : vector<16xf32>
      %select_n3A_150 = arith.select %ge3A_146, %add3A_143, %mul3A_149 : vector<16xi1>, vector<16xf32>
      %exp3A_151 = math.exp %select_n3A_150 : vector<16xf32>
      %jit3A_152 = arith.constant 0.000000e+00 : f32
      %broadcast_in_dim3A_153 = vector.broadcast %jit3A_152 : f32 to vector<16xf32>
      %select_n3A_154 = arith.select %broadcast_in_dim3A_58, %exp3A_151, %broadcast_in_dim3A_153 : vector<16xi1>, vector<16xf32>
      %bitcast3A_155 = vector.bitcast %get3A_140 : vector<16xi32> to vector<16xf32>
      %get3A_156 = arith.constant 0 : i32
      %get3A_157 = arith.index_cast %get3A_156 : i32 to index
      %get3A_158 = arith.constant 64 : index
      %get3A_159 = tpu.vector_load %arg9[%get3A_157, %get3A_158] {strides = array<i32>} : memref<2x128xi32, #tpu.memory_space<vmem>>, vector<16xi32>,
      %get3A_160 = arith.constant 0 : i32
      %get3A_161 = arith.index_cast %get3A_160 : i32 to index
      %get3A_162 = arith.constant 64 : index
      %get3A_163 = tpu.vector_load %arg10[%get3A_161, %get3A_162] {strides = array<i32>} : memref<2x128xi32, #tpu.memory_space<vmem>>, vector<16xi32>,
      %gather3A_164 = tpu.vector_load_idx %arg7[%get3A_159] : memref<10000xf32, #tpu.memory_space<vmem>>[vector<16xi32>], vector<16xf32>,
      %gather3A_165 = tpu.vector_load_idx %arg8[%get3A_163] : memref<10000xf32, #tpu.memory_space<vmem>>[vector<16xi32>], vector<16xf32>,
      %add3A_166 = arith.addf %gather3A_164, %gather3A_165 : vector<16xf32>
      %ge3A_167 = arith.constant 0.000000e+00 : f32
      %ge3A_168 = vector.broadcast %ge3A_167 : f32 to vector<16xf32>
      %ge3A_169 = arith.cmpf oge, %add3A_166, %ge3A_168 : vector<16xf32>
      %mul3A_170 = arith.constant 2.000000e-01 : f32
      %mul3A_171 = vector.broadcast %mul3A_170 : f32 to vector<16xf32>
      %mul3A_172 = arith.mulf %add3A_166, %mul3A_171 : vector<16xf32>
      %select_n3A_173 = arith.select %ge3A_169, %add3A_166, %mul3A_172 : vector<16xi1>, vector<16xf32>
      %exp3A_174 = math.exp %select_n3A_173 : vector<16xf32>
      %jit3A_175 = arith.constant 0.000000e+00 : f32
      %broadcast_in_dim3A_176 = vector.broadcast %jit3A_175 : f32 to vector<16xf32>
      %select_n3A_177 = arith.select %broadcast_in_dim3A_58, %exp3A_174, %broadcast_in_dim3A_176 : vector<16xi1>, vector<16xf32>
      %bitcast3A_178 = vector.bitcast %get3A_163 : vector<16xi32> to vector<16xf32>
      %get3A_179 = arith.constant 0 : i32
      %get3A_180 = arith.index_cast %get3A_179 : i32 to index
      %get3A_181 = arith.constant 80 : index
      %get3A_182 = tpu.vector_load %arg9[%get3A_180, %get3A_181] {strides = array<i32>} : memref<2x128xi32, #tpu.memory_space<vmem>>, vector<16xi32>,
      %get3A_183 = arith.constant 0 : i32
      %get3A_184 = arith.index_cast %get3A_183 : i32 to index
      %get3A_185 = arith.constant 80 : index
      %get3A_186 = tpu.vector_load %arg10[%get3A_184, %get3A_185] {strides = array<i32>} : memref<2x128xi32, #tpu.memory_space<vmem>>, vector<16xi32>,
      %gather3A_187 = tpu.vector_load_idx %arg7[%get3A_182] : memref<10000xf32, #tpu.memory_space<vmem>>[vector<16xi32>], vector<16xf32>,
      %gather3A_188 = tpu.vector_load_idx %arg8[%get3A_186] : memref<10000xf32, #tpu.memory_space<vmem>>[vector<16xi32>], vector<16xf32>,
      %add3A_189 = arith.addf %gather3A_187, %gather3A_188 : vector<16xf32>
      %ge3A_190 = arith.constant 0.000000e+00 : f32
      %ge3A_191 = vector.broadcast %ge3A_190 : f32 to vector<16xf32>
      %ge3A_192 = arith.cmpf oge, %add3A_189, %ge3A_191 : vector<16xf32>
      %mul3A_193 = arith.constant 2.000000e-01 : f32
      %mul3A_194 = vector.broadcast %mul3A_193 : f32 to vector<16xf32>
      %mul3A_195 = arith.mulf %add3A_189, %mul3A_194 : vector<16xf32>
      %select_n3A_196 = arith.select %ge3A_192, %add3A_189, %mul3A_195 : vector<16xi1>, vector<16xf32>
      %exp3A_197 = math.exp %select_n3A_196 : vector<16xf32>
      %jit3A_198 = arith.constant 0.000000e+00 : f32
      %broadcast_in_dim3A_199 = vector.broadcast %jit3A_198 : f32 to vector<16xf32>
      %select_n3A_200 = arith.select %broadcast_in_dim3A_58, %exp3A_197, %broadcast_in_dim3A_199 : vector<16xi1>, vector<16xf32>
      %bitcast3A_201 = vector.bitcast %get3A_186 : vector<16xi32> to vector<16xf32>
      %get3A_202 = arith.constant 0 : i32
      %get3A_203 = arith.index_cast %get3A_202 : i32 to index
      %get3A_204 = arith.constant 96 : index
      %get3A_205 = tpu.vector_load %arg9[%get3A_203, %get3A_204] {strides = array<i32>} : memref<2x128xi32, #tpu.memory_space<vmem>>, vector<16xi32>,
      %get3A_206 = arith.constant 0 : i32
      %get3A_207 = arith.index_cast %get3A_206 : i32 to index
      %get3A_208 = arith.constant 96 : index
      %get3A_209 = tpu.vector_load %arg10[%get3A_207, %get3A_208] {strides = array<i32>} : memref<2x128xi32, #tpu.memory_space<vmem>>, vector<16xi32>,
      %gather3A_210 = tpu.vector_load_idx %arg7[%get3A_205] : memref<10000xf32, #tpu.memory_space<vmem>>[vector<16xi32>], vector<16xf32>,
      %gather3A_211 = tpu.vector_load_idx %arg8[%get3A_209] : memref<10000xf32, #tpu.memory_space<vmem>>[vector<16xi32>], vector<16xf32>,
      %add3A_212 = arith.addf %gather3A_210, %gather3A_211 : vector<16xf32>
      %ge3A_213 = arith.constant 0.000000e+00 : f32
      %ge3A_214 = vector.broadcast %ge3A_213 : f32 to vector<16xf32>
      %ge3A_215 = arith.cmpf oge, %add3A_212, %ge3A_214 : vector<16xf32>
      %mul3A_216 = arith.constant 2.000000e-01 : f32
      %mul3A_217 = vector.broadcast %mul3A_216 : f32 to vector<16xf32>
      %mul3A_218 = arith.mulf %add3A_212, %mul3A_217 : vector<16xf32>
      %select_n3A_219 = arith.select %ge3A_215, %add3A_212, %mul3A_218 : vector<16xi1>, vector<16xf32>
      %exp3A_220 = math.exp %select_n3A_219 : vector<16xf32>
      %jit3A_221 = arith.constant 0.000000e+00 : f32
      %broadcast_in_dim3A_222 = vector.broadcast %jit3A_221 : f32 to vector<16xf32>
      %select_n3A_223 = arith.select %broadcast_in_dim3A_58, %exp3A_220, %broadcast_in_dim3A_222 : vector<16xi1>, vector<16xf32>
      %bitcast3A_224 = vector.bitcast %get3A_209 : vector<16xi32> to vector<16xf32>
      %get3A_225 = arith.constant 0 : i32
      %get3A_226 = arith.index_cast %get3A_225 : i32 to index
      %get3A_227 = arith.constant 112 : index
      %get3A_228 = tpu.vector_load %arg9[%get3A_226, %get3A_227] {strides = array<i32>} : memref<2x128xi32, #tpu.memory_space<vmem>>, vector<16xi32>,
      %get3A_229 = arith.constant 0 : i32
      %get3A_230 = arith.index_cast %get3A_229 : i32 to index
      %get3A_231 = arith.constant 112 : index
      %get3A_232 = tpu.vector_load %arg10[%get3A_230, %get3A_231] {strides = array<i32>} : memref<2x128xi32, #tpu.memory_space<vmem>>, vector<16xi32>,
      %gather3A_233 = tpu.vector_load_idx %arg7[%get3A_228] : memref<10000xf32, #tpu.memory_space<vmem>>[vector<16xi32>], vector<16xf32>,
      %gather3A_234 = tpu.vector_load_idx %arg8[%get3A_232] : memref<10000xf32, #tpu.memory_space<vmem>>[vector<16xi32>], vector<16xf32>,
      %add3A_235 = arith.addf %gather3A_233, %gather3A_234 : vector<16xf32>
      %ge3A_236 = arith.constant 0.000000e+00 : f32
      %ge3A_237 = vector.broadcast %ge3A_236 : f32 to vector<16xf32>
      %ge3A_238 = arith.cmpf oge, %add3A_235, %ge3A_237 : vector<16xf32>
      %mul3A_239 = arith.constant 2.000000e-01 : f32
      %mul3A_240 = vector.broadcast %mul3A_239 : f32 to vector<16xf32>
      %mul3A_241 = arith.mulf %add3A_235, %mul3A_240 : vector<16xf32>
      %select_n3A_242 = arith.select %ge3A_238, %add3A_235, %mul3A_241 : vector<16xi1>, vector<16xf32>
      %exp3A_243 = math.exp %select_n3A_242 : vector<16xf32>
      %jit3A_244 = arith.constant 0.000000e+00 : f32
      %broadcast_in_dim3A_245 = vector.broadcast %jit3A_244 : f32 to vector<16xf32>
      %select_n3A_246 = arith.select %broadcast_in_dim3A_58, %exp3A_243, %broadcast_in_dim3A_245 : vector<16xi1>, vector<16xf32>
      %bitcast3A_247 = vector.bitcast %get3A_232 : vector<16xi32> to vector<16xf32>
      %add3A_248 = arith.constant 1 : i32
      %add3A_249 = arith.addi %add3A_34, %add3A_248 : i32
      %lt3A_250 = arith.constant 2500 : i32
      %lt3A_251 = arith.cmpi slt, %add3A_249, %lt3A_250 : i32
      %broadcast_in_dim3A_252 = vector.broadcast %lt3A_251 : i1 to vector<16xi1>
      %dma_wait3A_253 = arith.constant 1 : i32
      %dma_wait3A_254 = arith.constant 128 : i32
      %dma_wait3A_255 = arith.constant 0 : i32
      %dma_wait3A_256 = tpu.memref_slice %arg11[%dma_wait3A_254, %dma_wait3A_255] : memref<256x16xf32, #tpu.memory_space<vmem>> -> memref<128x16xf32, #tpu.memory_space<vmem>>
      %dma_wait3A_257 = arith.constant 0 : i32
      %dma_wait3A_258 = tpu.memref_slice %arg9[%dma_wait3A_253, %dma_wait3A_257] : memref<2x128xi32, #tpu.memory_space<vmem>> -> memref<1x128xi32, #tpu.memory_space<vmem>>
      %dma_wait3A_259 = tpu.memref_squeeze %dma_wait3A_258 : memref<1x128xi32, #tpu.memory_space<vmem>> -> memref<128xi32, #tpu.memory_space<vmem>>
      %dma_wait3A_260 = arith.constant 0 : i32
      %dma_wait3A_261 = arith.constant 0 : i32
      %dma_wait3A_262 = tpu.memref_slice %arg2[%dma_wait3A_260, %dma_wait3A_261] : memref<10000x16xf32, #tpu.memory_space<hbm>> -> memref<10000x16xf32, #tpu.memory_space<hbm>>
      tpu.wait_indirect_dma semaphore(%arg14 : memref<!tpu.dma_semaphore, #tpu.memory_space<semaphore_mem>>) src(%dma_wait3A_262 : memref<10000x16xf32, #tpu.memory_space<hbm>>) dst(%dma_wait3A_256 : memref<128x16xf32, #tpu.memory_space<vmem>>)
      %get3A_263 = arith.constant 1 : i32
      %get3A_264 = arith.index_cast %get3A_263 : i32 to index
      %get3A_265 = arith.constant 0 : index
      %get3A_266 = tpu.vector_load %arg9[%get3A_264, %get3A_265] {strides = array<i32>} : memref<2x128xi32, #tpu.memory_space<vmem>>, vector<16xi32>,
      %get3A_267 = arith.constant 1 : i32
      %get3A_268 = arith.index_cast %get3A_267 : i32 to index
      %get3A_269 = arith.constant 0 : index
      %get3A_270 = tpu.vector_load %arg10[%get3A_268, %get3A_269] {strides = array<i32>} : memref<2x128xi32, #tpu.memory_space<vmem>>, vector<16xi32>,
      %gather3A_271 = tpu.vector_load_idx %arg7[%get3A_266] : memref<10000xf32, #tpu.memory_space<vmem>>[vector<16xi32>], vector<16xf32>,
      %gather3A_272 = tpu.vector_load_idx %arg8[%get3A_270] : memref<10000xf32, #tpu.memory_space<vmem>>[vector<16xi32>], vector<16xf32>,
      %add3A_273 = arith.addf %gather3A_271, %gather3A_272 : vector<16xf32>
      %ge3A_274 = arith.constant 0.000000e+00 : f32
      %ge3A_275 = vector.broadcast %ge3A_274 : f32 to vector<16xf32>
      %ge3A_276 = arith.cmpf oge, %add3A_273, %ge3A_275 : vector<16xf32>
      %mul3A_277 = arith.constant 2.000000e-01 : f32
      %mul3A_278 = vector.broadcast %mul3A_277 : f32 to vector<16xf32>
      %mul3A_279 = arith.mulf %add3A_273, %mul3A_278 : vector<16xf32>
      %select_n3A_280 = arith.select %ge3A_276, %add3A_273, %mul3A_279 : vector<16xi1>, vector<16xf32>
      %exp3A_281 = math.exp %select_n3A_280 : vector<16xf32>
      %jit3A_282 = arith.constant 0.000000e+00 : f32
      %broadcast_in_dim3A_283 = vector.broadcast %jit3A_282 : f32 to vector<16xf32>
      %select_n3A_284 = arith.select %broadcast_in_dim3A_252, %exp3A_281, %broadcast_in_dim3A_283 : vector<16xi1>, vector<16xf32>
      %bitcast3A_285 = vector.bitcast %get3A_270 : vector<16xi32> to vector<16xf32>
      %get3A_286 = arith.constant 1 : i32
      %get3A_287 = arith.index_cast %get3A_286 : i32 to index
      %get3A_288 = arith.constant 16 : index
      %get3A_289 = tpu.vector_load %arg9[%get3A_287, %get3A_288] {strides = array<i32>} : memref<2x128xi32, #tpu.memory_space<vmem>>, vector<16xi32>,
      %get3A_290 = arith.constant 1 : i32
      %get3A_291 = arith.index_cast %get3A_290 : i32 to index
      %get3A_292 = arith.constant 16 : index
      %get3A_293 = tpu.vector_load %arg10[%get3A_291, %get3A_292] {strides = array<i32>} : memref<2x128xi32, #tpu.memory_space<vmem>>, vector<16xi32>,
      %gather3A_294 = tpu.vector_load_idx %arg7[%get3A_289] : memref<10000xf32, #tpu.memory_space<vmem>>[vector<16xi32>], vector<16xf32>,
      %gather3A_295 = tpu.vector_load_idx %arg8[%get3A_293] : memref<10000xf32, #tpu.memory_space<vmem>>[vector<16xi32>], vector<16xf32>,
      %add3A_296 = arith.addf %gather3A_294, %gather3A_295 : vector<16xf32>
      %ge3A_297 = arith.constant 0.000000e+00 : f32
      %ge3A_298 = vector.broadcast %ge3A_297 : f32 to vector<16xf32>
      %ge3A_299 = arith.cmpf oge, %add3A_296, %ge3A_298 : vector<16xf32>
      %mul3A_300 = arith.constant 2.000000e-01 : f32
      %mul3A_301 = vector.broadcast %mul3A_300 : f32 to vector<16xf32>
      %mul3A_302 = arith.mulf %add3A_296, %mul3A_301 : vector<16xf32>
      %select_n3A_303 = arith.select %ge3A_299, %add3A_296, %mul3A_302 : vector<16xi1>, vector<16xf32>
      %exp3A_304 = math.exp %select_n3A_303 : vector<16xf32>
      %jit3A_305 = arith.constant 0.000000e+00 : f32
      %broadcast_in_dim3A_306 = vector.broadcast %jit3A_305 : f32 to vector<16xf32>
      %select_n3A_307 = arith.select %broadcast_in_dim3A_252, %exp3A_304, %broadcast_in_dim3A_306 : vector<16xi1>, vector<16xf32>
      %bitcast3A_308 = vector.bitcast %get3A_293 : vector<16xi32> to vector<16xf32>
      %get3A_309 = arith.constant 1 : i32
      %get3A_310 = arith.index_cast %get3A_309 : i32 to index
      %get3A_311 = arith.constant 32 : index
      %get3A_312 = tpu.vector_load %arg9[%get3A_310, %get3A_311] {strides = array<i32>} : memref<2x128xi32, #tpu.memory_space<vmem>>, vector<16xi32>,
      %get3A_313 = arith.constant 1 : i32
      %get3A_314 = arith.index_cast %get3A_313 : i32 to index
      %get3A_315 = arith.constant 32 : index
      %get3A_316 = tpu.vector_load %arg10[%get3A_314, %get3A_315] {strides = array<i32>} : memref<2x128xi32, #tpu.memory_space<vmem>>, vector<16xi32>,
      %gather3A_317 = tpu.vector_load_idx %arg7[%get3A_312] : memref<10000xf32, #tpu.memory_space<vmem>>[vector<16xi32>], vector<16xf32>,
      %gather3A_318 = tpu.vector_load_idx %arg8[%get3A_316] : memref<10000xf32, #tpu.memory_space<vmem>>[vector<16xi32>], vector<16xf32>,
      %add3A_319 = arith.addf %gather3A_317, %gather3A_318 : vector<16xf32>
      %ge3A_320 = arith.constant 0.000000e+00 : f32
      %ge3A_321 = vector.broadcast %ge3A_320 : f32 to vector<16xf32>
      %ge3A_322 = arith.cmpf oge, %add3A_319, %ge3A_321 : vector<16xf32>
      %mul3A_323 = arith.constant 2.000000e-01 : f32
      %mul3A_324 = vector.broadcast %mul3A_323 : f32 to vector<16xf32>
      %mul3A_325 = arith.mulf %add3A_319, %mul3A_324 : vector<16xf32>
      %select_n3A_326 = arith.select %ge3A_322, %add3A_319, %mul3A_325 : vector<16xi1>, vector<16xf32>
      %exp3A_327 = math.exp %select_n3A_326 : vector<16xf32>
      %jit3A_328 = arith.constant 0.000000e+00 : f32
      %broadcast_in_dim3A_329 = vector.broadcast %jit3A_328 : f32 to vector<16xf32>
      %select_n3A_330 = arith.select %broadcast_in_dim3A_252, %exp3A_327, %broadcast_in_dim3A_329 : vector<16xi1>, vector<16xf32>
      %bitcast3A_331 = vector.bitcast %get3A_316 : vector<16xi32> to vector<16xf32>
      %get3A_332 = arith.constant 1 : i32
      %get3A_333 = arith.index_cast %get3A_332 : i32 to index
      %get3A_334 = arith.constant 48 : index
      %get3A_335 = tpu.vector_load %arg9[%get3A_333, %get3A_334] {strides = array<i32>} : memref<2x128xi32, #tpu.memory_space<vmem>>, vector<16xi32>,
      %get3A_336 = arith.constant 1 : i32
      %get3A_337 = arith.index_cast %get3A_336 : i32 to index
      %get3A_338 = arith.constant 48 : index
      %get3A_339 = tpu.vector_load %arg10[%get3A_337, %get3A_338] {strides = array<i32>} : memref<2x128xi32, #tpu.memory_space<vmem>>, vector<16xi32>,
      %gather3A_340 = tpu.vector_load_idx %arg7[%get3A_335] : memref<10000xf32, #tpu.memory_space<vmem>>[vector<16xi32>], vector<16xf32>,
      %gather3A_341 = tpu.vector_load_idx %arg8[%get3A_339] : memref<10000xf32, #tpu.memory_space<vmem>>[vector<16xi32>], vector<16xf32>,
      %add3A_342 = arith.addf %gather3A_340, %gather3A_341 : vector<16xf32>
      %ge3A_343 = arith.constant 0.000000e+00 : f32
      %ge3A_344 = vector.broadcast %ge3A_343 : f32 to vector<16xf32>
      %ge3A_345 = arith.cmpf oge, %add3A_342, %ge3A_344 : vector<16xf32>
      %mul3A_346 = arith.constant 2.000000e-01 : f32
      %mul3A_347 = vector.broadcast %mul3A_346 : f32 to vector<16xf32>
      %mul3A_348 = arith.mulf %add3A_342, %mul3A_347 : vector<16xf32>
      %select_n3A_349 = arith.select %ge3A_345, %add3A_342, %mul3A_348 : vector<16xi1>, vector<16xf32>
      %exp3A_350 = math.exp %select_n3A_349 : vector<16xf32>
      %jit3A_351 = arith.constant 0.000000e+00 : f32
      %broadcast_in_dim3A_352 = vector.broadcast %jit3A_351 : f32 to vector<16xf32>
      %select_n3A_353 = arith.select %broadcast_in_dim3A_252, %exp3A_350, %broadcast_in_dim3A_352 : vector<16xi1>, vector<16xf32>
      %bitcast3A_354 = vector.bitcast %get3A_339 : vector<16xi32> to vector<16xf32>
      %get3A_355 = arith.constant 1 : i32
      %get3A_356 = arith.index_cast %get3A_355 : i32 to index
      %get3A_357 = arith.constant 64 : index
      %get3A_358 = tpu.vector_load %arg9[%get3A_356, %get3A_357] {strides = array<i32>} : memref<2x128xi32, #tpu.memory_space<vmem>>, vector<16xi32>,
      %get3A_359 = arith.constant 1 : i32
      %get3A_360 = arith.index_cast %get3A_359 : i32 to index
      %get3A_361 = arith.constant 64 : index
      %get3A_362 = tpu.vector_load %arg10[%get3A_360, %get3A_361] {strides = array<i32>} : memref<2x128xi32, #tpu.memory_space<vmem>>, vector<16xi32>,
      %gather3A_363 = tpu.vector_load_idx %arg7[%get3A_358] : memref<10000xf32, #tpu.memory_space<vmem>>[vector<16xi32>], vector<16xf32>,
      %gather3A_364 = tpu.vector_load_idx %arg8[%get3A_362] : memref<10000xf32, #tpu.memory_space<vmem>>[vector<16xi32>], vector<16xf32>,
      %add3A_365 = arith.addf %gather3A_363, %gather3A_364 : vector<16xf32>
      %ge3A_366 = arith.constant 0.000000e+00 : f32
      %ge3A_367 = vector.broadcast %ge3A_366 : f32 to vector<16xf32>
      %ge3A_368 = arith.cmpf oge, %add3A_365, %ge3A_367 : vector<16xf32>
      %mul3A_369 = arith.constant 2.000000e-01 : f32
      %mul3A_370 = vector.broadcast %mul3A_369 : f32 to vector<16xf32>
      %mul3A_371 = arith.mulf %add3A_365, %mul3A_370 : vector<16xf32>
      %select_n3A_372 = arith.select %ge3A_368, %add3A_365, %mul3A_371 : vector<16xi1>, vector<16xf32>
      %exp3A_373 = math.exp %select_n3A_372 : vector<16xf32>
      %jit3A_374 = arith.constant 0.000000e+00 : f32
      %broadcast_in_dim3A_375 = vector.broadcast %jit3A_374 : f32 to vector<16xf32>
      %select_n3A_376 = arith.select %broadcast_in_dim3A_252, %exp3A_373, %broadcast_in_dim3A_375 : vector<16xi1>, vector<16xf32>
      %bitcast3A_377 = vector.bitcast %get3A_362 : vector<16xi32> to vector<16xf32>
      %get3A_378 = arith.constant 1 : i32
      %get3A_379 = arith.index_cast %get3A_378 : i32 to index
      %get3A_380 = arith.constant 80 : index
      %get3A_381 = tpu.vector_load %arg9[%get3A_379, %get3A_380] {strides = array<i32>} : memref<2x128xi32, #tpu.memory_space<vmem>>, vector<16xi32>,
      %get3A_382 = arith.constant 1 : i32
      %get3A_383 = arith.index_cast %get3A_382 : i32 to index
      %get3A_384 = arith.constant 80 : index
      %get3A_385 = tpu.vector_load %arg10[%get3A_383, %get3A_384] {strides = array<i32>} : memref<2x128xi32, #tpu.memory_space<vmem>>, vector<16xi32>,
      %gather3A_386 = tpu.vector_load_idx %arg7[%get3A_381] : memref<10000xf32, #tpu.memory_space<vmem>>[vector<16xi32>], vector<16xf32>,
      %gather3A_387 = tpu.vector_load_idx %arg8[%get3A_385] : memref<10000xf32, #tpu.memory_space<vmem>>[vector<16xi32>], vector<16xf32>,
      %add3A_388 = arith.addf %gather3A_386, %gather3A_387 : vector<16xf32>
      %ge3A_389 = arith.constant 0.000000e+00 : f32
      %ge3A_390 = vector.broadcast %ge3A_389 : f32 to vector<16xf32>
      %ge3A_391 = arith.cmpf oge, %add3A_388, %ge3A_390 : vector<16xf32>
      %mul3A_392 = arith.constant 2.000000e-01 : f32
      %mul3A_393 = vector.broadcast %mul3A_392 : f32 to vector<16xf32>
      %mul3A_394 = arith.mulf %add3A_388, %mul3A_393 : vector<16xf32>
      %select_n3A_395 = arith.select %ge3A_391, %add3A_388, %mul3A_394 : vector<16xi1>, vector<16xf32>
      %exp3A_396 = math.exp %select_n3A_395 : vector<16xf32>
      %jit3A_397 = arith.constant 0.000000e+00 : f32
      %broadcast_in_dim3A_398 = vector.broadcast %jit3A_397 : f32 to vector<16xf32>
      %select_n3A_399 = arith.select %broadcast_in_dim3A_252, %exp3A_396, %broadcast_in_dim3A_398 : vector<16xi1>, vector<16xf32>
      %bitcast3A_400 = vector.bitcast %get3A_385 : vector<16xi32> to vector<16xf32>
      %get3A_401 = arith.constant 1 : i32
      %get3A_402 = arith.index_cast %get3A_401 : i32 to index
      %get3A_403 = arith.constant 96 : index
      %get3A_404 = tpu.vector_load %arg9[%get3A_402, %get3A_403] {strides = array<i32>} : memref<2x128xi32, #tpu.memory_space<vmem>>, vector<16xi32>,
      %get3A_405 = arith.constant 1 : i32
      %get3A_406 = arith.index_cast %get3A_405 : i32 to index
      %get3A_407 = arith.constant 96 : index
      %get3A_408 = tpu.vector_load %arg10[%get3A_406, %get3A_407] {strides = array<i32>} : memref<2x128xi32, #tpu.memory_space<vmem>>, vector<16xi32>,
      %gather3A_409 = tpu.vector_load_idx %arg7[%get3A_404] : memref<10000xf32, #tpu.memory_space<vmem>>[vector<16xi32>], vector<16xf32>,
      %gather3A_410 = tpu.vector_load_idx %arg8[%get3A_408] : memref<10000xf32, #tpu.memory_space<vmem>>[vector<16xi32>], vector<16xf32>,
      %add3A_411 = arith.addf %gather3A_409, %gather3A_410 : vector<16xf32>
      %ge3A_412 = arith.constant 0.000000e+00 : f32
      %ge3A_413 = vector.broadcast %ge3A_412 : f32 to vector<16xf32>
      %ge3A_414 = arith.cmpf oge, %add3A_411, %ge3A_413 : vector<16xf32>
      %mul3A_415 = arith.constant 2.000000e-01 : f32
      %mul3A_416 = vector.broadcast %mul3A_415 : f32 to vector<16xf32>
      %mul3A_417 = arith.mulf %add3A_411, %mul3A_416 : vector<16xf32>
      %select_n3A_418 = arith.select %ge3A_414, %add3A_411, %mul3A_417 : vector<16xi1>, vector<16xf32>
      %exp3A_419 = math.exp %select_n3A_418 : vector<16xf32>
      %jit3A_420 = arith.constant 0.000000e+00 : f32
      %broadcast_in_dim3A_421 = vector.broadcast %jit3A_420 : f32 to vector<16xf32>
      %select_n3A_422 = arith.select %broadcast_in_dim3A_252, %exp3A_419, %broadcast_in_dim3A_421 : vector<16xi1>, vector<16xf32>
      %bitcast3A_423 = vector.bitcast %get3A_408 : vector<16xi32> to vector<16xf32>
      %get3A_424 = arith.constant 1 : i32
      %get3A_425 = arith.index_cast %get3A_424 : i32 to index
      %get3A_426 = arith.constant 112 : index
      %get3A_427 = tpu.vector_load %arg9[%get3A_425, %get3A_426] {strides = array<i32>} : memref<2x128xi32, #tpu.memory_space<vmem>>, vector<16xi32>,
      %get3A_428 = arith.constant 1 : i32
      %get3A_429 = arith.index_cast %get3A_428 : i32 to index
      %get3A_430 = arith.constant 112 : index
      %get3A_431 = tpu.vector_load %arg10[%get3A_429, %get3A_430] {strides = array<i32>} : memref<2x128xi32, #tpu.memory_space<vmem>>, vector<16xi32>,
      %gather3A_432 = tpu.vector_load_idx %arg7[%get3A_427] : memref<10000xf32, #tpu.memory_space<vmem>>[vector<16xi32>], vector<16xf32>,
      %gather3A_433 = tpu.vector_load_idx %arg8[%get3A_431] : memref<10000xf32, #tpu.memory_space<vmem>>[vector<16xi32>], vector<16xf32>,
      %add3A_434 = arith.addf %gather3A_432, %gather3A_433 : vector<16xf32>
      %ge3A_435 = arith.constant 0.000000e+00 : f32
      %ge3A_436 = vector.broadcast %ge3A_435 : f32 to vector<16xf32>
      %ge3A_437 = arith.cmpf oge, %add3A_434, %ge3A_436 : vector<16xf32>
      %mul3A_438 = arith.constant 2.000000e-01 : f32
      %mul3A_439 = vector.broadcast %mul3A_438 : f32 to vector<16xf32>
      %mul3A_440 = arith.mulf %add3A_434, %mul3A_439 : vector<16xf32>
      %select_n3A_441 = arith.select %ge3A_437, %add3A_434, %mul3A_440 : vector<16xi1>, vector<16xf32>
      %exp3A_442 = math.exp %select_n3A_441 : vector<16xf32>
      %jit3A_443 = arith.constant 0.000000e+00 : f32
      %broadcast_in_dim3A_444 = vector.broadcast %jit3A_443 : f32 to vector<16xf32>
      %select_n3A_445 = arith.select %broadcast_in_dim3A_252, %exp3A_442, %broadcast_in_dim3A_444 : vector<16xi1>, vector<16xf32>
      %bitcast3A_446 = vector.bitcast %get3A_431 : vector<16xi32> to vector<16xf32>
    }
    %scan3A_27 = arith.constant 80 : i32
    %run_scoped3A = arith.constant 0 : i32
    "tpu.region"() ({
      %run_scoped3A_29 = tpu.sem_alloc : memref<!tpu.dma_semaphore, #tpu.memory_space<semaphore_mem>>
      %dma_start3A = arith.constant 0 : i32
      %dma_start3A_30 = tpu.memref_slice %arg6[%arg0, %arg1, %run_scoped3A, %dma_start3A] : memref<2x16x2x46096xf32, #tpu.memory_space<hbm>> -> memref<1x1x1x46096xf32, #tpu.memory_space<hbm>>
      %dma_start3A_31 = tpu.memref_squeeze %dma_start3A_30 : memref<1x1x1x46096xf32, #tpu.memory_space<hbm>> -> memref<46096xf32, #tpu.memory_space<hbm>>
      %dma_start3A_32 = arith.constant 0 : i32
      %dma_start3A_33 = tpu.memref_slice %arg6[%arg0, %arg1, %run_scoped3A, %dma_start3A_32] : memref<2x16x2x46096xf32, #tpu.memory_space<hbm>> -> memref<1x1x1x46096xf32, #tpu.memory_space<hbm>>
      %dma_start3A_34 = tpu.memref_squeeze %dma_start3A_33 : memref<1x1x1x46096xf32, #tpu.memory_space<hbm>> -> memref<46096xf32, #tpu.memory_space<hbm>>
      tpu.enqueue_dma source(%arg12 : memref<46096xf32, #tpu.memory_space<vmem>>) target(%dma_start3A_34 : memref<46096xf32, #tpu.memory_space<hbm>>) target_semaphore(%run_scoped3A_29 : memref<!tpu.dma_semaphore, #tpu.memory_space<semaphore_mem>>)
      %dma_wait3A = arith.constant 0 : i32
      %dma_wait3A_35 = tpu.memref_slice %arg6[%arg0, %arg1, %run_scoped3A, %dma_wait3A] : memref<2x16x2x46096xf32, #tpu.memory_space<hbm>> -> memref<1x1x1x46096xf32, #tpu.memory_space<hbm>>
      %dma_wait3A_36 = tpu.memref_squeeze %dma_wait3A_35 : memref<1x1x1x46096xf32, #tpu.memory_space<hbm>> -> memref<46096xf32, #tpu.memory_space<hbm>>
      %dma_wait3A_37 = arith.constant 0 : i32
      %dma_wait3A_38 = tpu.memref_slice %arg6[%arg0, %arg1, %run_scoped3A, %dma_wait3A_37] : memref<2x16x2x46096xf32, #tpu.memory_space<hbm>> -> memref<1x1x1x46096xf32, #tpu.memory_space<hbm>>
      %dma_wait3A_39 = tpu.memref_squeeze %dma_wait3A_38 : memref<1x1x1x46096xf32, #tpu.memory_space<hbm>> -> memref<46096xf32, #tpu.memory_space<hbm>>
      tpu.wait_dma2 semaphore(%run_scoped3A_29 : memref<!tpu.dma_semaphore, #tpu.memory_space<semaphore_mem>>) src(%arg12 : memref<46096xf32, #tpu.memory_space<vmem>>) dst(%dma_wait3A_39 : memref<46096xf32, #tpu.memory_space<hbm>>)
      tpu.yield
    }) : () -> ()
    %run_scoped3A_28 = arith.constant 1 : i32
    "tpu.region"() ({
      %run_scoped3A_29 = tpu.sem_alloc : memref<!tpu.dma_semaphore, #tpu.memory_space<semaphore_mem>>
      %dma_start3A = arith.constant 0 : i32
      %dma_start3A_30 = tpu.memref_slice %arg6[%arg0, %arg1, %run_scoped3A_28, %dma_start3A] : memref<2x16x2x46096xf32, #tpu.memory_space<hbm>> -> memref<1x1x1x46096xf32, #tpu.memory_space<hbm>>
      %dma_start3A_31 = tpu.memref_squeeze %dma_start3A_30 : memref<1x1x1x46096xf32, #tpu.memory_space<hbm>> -> memref<46096xf32, #tpu.memory_space<hbm>>
      %dma_start3A_32 = arith.constant 0 : i32
      %dma_start3A_33 = tpu.memref_slice %arg6[%arg0, %arg1, %run_scoped3A_28, %dma_start3A_32] : memref<2x16x2x46096xf32, #tpu.memory_space<hbm>> -> memref<1x1x1x46096xf32, #tpu.memory_space<hbm>>
      %dma_start3A_34 = tpu.memref_squeeze %dma_start3A_33 : memref<1x1x1x46096xf32, #tpu.memory_space<hbm>> -> memref<46096xf32, #tpu.memory_space<hbm>>
      tpu.enqueue_dma source(%arg13 : memref<46096xf32, #tpu.memory_space<vmem>>) target(%dma_start3A_34 : memref<46096xf32, #tpu.memory_space<hbm>>) target_semaphore(%run_scoped3A_29 : memref<!tpu.dma_semaphore, #tpu.memory_space<semaphore_mem>>)
      %dma_wait3A = arith.constant 0 : i32
      %dma_wait3A_35 = tpu.memref_slice %arg6[%arg0, %arg1, %run_scoped3A_28, %dma_wait3A] : memref<2x16x2x46096xf32, #tpu.memory_space<hbm>> -> memref<1x1x1x46096xf32, #tpu.memory_space<hbm>>
      %dma_wait3A_36 = tpu.memref_squeeze %dma_wait3A_35 : memref<1x1x1x46096xf32, #tpu.memory_space<hbm>> -> memref<46096xf32, #tpu.memory_space<hbm>>
      %dma_wait3A_37 = arith.constant 0 : i32
      %dma_wait3A_38 = tpu.memref_slice %arg6[%arg0, %arg1, %run_scoped3A_28, %dma_wait3A_37] : memref<2x16x2x46096xf32, #tpu.memory_space<hbm>> -> memref<1x1x1x46096xf32, #tpu.memory_space<hbm>>
      %dma_wait3A_39 = tpu.memref_squeeze %dma_wait3A_38 : memref<1x1x1x46096xf32, #tpu.memory_space<hbm>> -> memref<46096xf32, #tpu.memory_space<hbm>>
      tpu.wait_dma2 semaphore(%run_scoped3A_29 : memref<!tpu.dma_semaphore, #tpu.memory_space<semaphore_mem>>) src(%arg13 : memref<46096xf32, #tpu.memory_space<vmem>>) dst(%dma_wait3A_39 : memref<46096xf32, #tpu.memory_space<hbm>>)
      tpu.yield
    }) : () -> ()
    return
  }
}

module attributes {stable_mosaic.version = 14 : i64} {
  func.func @_pre_body(%arg0: memref<10000x128xf32, #tpu.memory_space<vmem>>, %arg1: memref<128x16xf32, #tpu.memory_space<vmem>>, %arg2: memref<16x4xf32, #tpu.memory_space<vmem>>, %arg3: memref<128x16xf32, #tpu.memory_space<vmem>>, %arg4: memref<1x16xf32, #tpu.memory_space<vmem>>, %arg5: memref<10000x16xf32, #tpu.memory_space<vmem>>, %arg6: memref<4x10000xf32, #tpu.memory_space<vmem>>, %arg7: memref<10000x16xf32, #tpu.memory_space<vmem>>) attributes {dimension_semantics = [], scalar_prefetch = 0 : i64, scratch_operands = 0 : i64, tpu.core_type = #tpu.core_type<tc>} {
    %get3A = arith.constant 0 : index
    %get3A_0 = arith.constant 0 : index
    %get3A_1 = vector.load %arg0[%get3A, %get3A_0] : memref<10000x128xf32, #tpu.memory_space<vmem>>, vector<10000x128xf32>
    %get3A_2 = arith.constant 0 : index
    %get3A_3 = arith.constant 0 : index
    %get3A_4 = vector.load %arg1[%get3A_2, %get3A_3] : memref<128x16xf32, #tpu.memory_space<vmem>>, vector<128x16xf32>
    %dot_general3A = arith.constant dense<0.000000e+00> : vector<10000x16xf32>
    %dot_general3A_5 = tpu.matmul %get3A_1, %get3A_4, %dot_general3A {dimension_numbers = #tpu.dot_dimension_numbers<[1], [0], [0], [1], [0, 0, 1, 1], [], []>, transpose_lhs_hint = false} : vector<10000x128xf32>, vector<128x16xf32>, vector<10000x16xf32> -> vector<10000x16xf32>
    %swap3A = arith.constant 0 : index
    %swap3A_6 = arith.constant 0 : index
    %swap3A_7 = vector.load %arg5[%swap3A, %swap3A_6] : memref<10000x16xf32, #tpu.memory_space<vmem>>, vector<10000x16xf32>
    tpu.vector_store %arg5[%swap3A, %swap3A_6], %dot_general3A_5 {strides = array<i32>} : memref<10000x16xf32, #tpu.memory_space<vmem>>, vector<10000x16xf32>,
    %get3A_8 = arith.constant 0 : index
    %get3A_9 = arith.constant 0 : index
    %get3A_10 = vector.load %arg2[%get3A_8, %get3A_9] : memref<16x4xf32, #tpu.memory_space<vmem>>, vector<16x4xf32>
    %dot_general3A_11 = arith.constant dense<0.000000e+00> : vector<4x10000xf32>
    %dot_general3A_12 = tpu.matmul %get3A_10, %dot_general3A_5, %dot_general3A_11 {dimension_numbers = #tpu.dot_dimension_numbers<[0], [1], [1], [0], [0, 1, 1, 0], [], []>, transpose_lhs_hint = false} : vector<16x4xf32>, vector<10000x16xf32>, vector<4x10000xf32> -> vector<4x10000xf32>
    %swap3A_13 = arith.constant 0 : index
    %swap3A_14 = arith.constant 0 : index
    %swap3A_15 = vector.load %arg6[%swap3A_13, %swap3A_14] : memref<4x10000xf32, #tpu.memory_space<vmem>>, vector<4x10000xf32>
    tpu.vector_store %arg6[%swap3A_13, %swap3A_14], %dot_general3A_12 {strides = array<i32>} : memref<4x10000xf32, #tpu.memory_space<vmem>>, vector<4x10000xf32>,
    %get3A_16 = arith.constant 0 : index
    %get3A_17 = arith.constant 0 : index
    %get3A_18 = vector.load %arg3[%get3A_16, %get3A_17] : memref<128x16xf32, #tpu.memory_space<vmem>>, vector<128x16xf32>
    %dot_general3A_19 = arith.constant dense<0.000000e+00> : vector<10000x16xf32>
    %dot_general3A_20 = tpu.matmul %get3A_1, %get3A_18, %dot_general3A_19 {dimension_numbers = #tpu.dot_dimension_numbers<[1], [0], [0], [1], [0, 0, 1, 1], [], []>, transpose_lhs_hint = false} : vector<10000x128xf32>, vector<128x16xf32>, vector<10000x16xf32> -> vector<10000x16xf32>
    %get3A_21 = arith.constant 0 : index
    %get3A_22 = arith.constant 0 : index
    %get3A_23 = vector.load %arg4[%get3A_21, %get3A_22] : memref<1x16xf32, #tpu.memory_space<vmem>>, vector<1x16xf32>
    %add3A = vector.broadcast %get3A_23 : vector<1x16xf32> to vector<10000x16xf32>
    %add3A_24 = arith.addf %dot_general3A_20, %add3A : vector<10000x16xf32>
    %swap3A_25 = arith.constant 0 : index
    %swap3A_26 = arith.constant 0 : index
    %swap3A_27 = vector.load %arg7[%swap3A_25, %swap3A_26] : memref<10000x16xf32, #tpu.memory_space<vmem>>, vector<10000x16xf32>
    tpu.vector_store %arg7[%swap3A_25, %swap3A_26], %add3A_24 {strides = array<i32>} : memref<10000x16xf32, #tpu.memory_space<vmem>>, vector<10000x16xf32>,
    return
  }
}

module attributes {stable_mosaic.version = 14 : i64} {
  func.func @_redu_body(%arg0: memref<2x16x720x128xf32, #tpu.memory_space<vmem>>, %arg1: memref<2x720x128xf32, #tpu.memory_space<vmem>>) attributes {dimension_semantics = [], scalar_prefetch = 0 : i64, scratch_operands = 0 : i64, tpu.core_type = #tpu.core_type<tc>} {
    %get3A = arith.constant 0 : index
    %get3A_0 = arith.constant 0 : index
    %get3A_1 = arith.constant 0 : index
    %get3A_2 = arith.constant 0 : index
    %get3A_3 = vector.load %arg0[%get3A, %get3A_0, %get3A_1, %get3A_2] : memref<2x16x720x128xf32, #tpu.memory_space<vmem>>, vector<2x1x720x128xf32>
    %get3A_4 = vector.shape_cast %get3A_3 : vector<2x1x720x128xf32> to vector<2x720x128xf32>
    %get3A_5 = arith.constant 0 : index
    %get3A_6 = arith.constant 1 : index
    %get3A_7 = arith.constant 0 : index
    %get3A_8 = arith.constant 0 : index
    %get3A_9 = vector.load %arg0[%get3A_5, %get3A_6, %get3A_7, %get3A_8] : memref<2x16x720x128xf32, #tpu.memory_space<vmem>>, vector<2x1x720x128xf32>
    %get3A_10 = vector.shape_cast %get3A_9 : vector<2x1x720x128xf32> to vector<2x720x128xf32>
    %add3A = arith.addf %get3A_4, %get3A_10 : vector<2x720x128xf32>
    %get3A_11 = arith.constant 0 : index
    %get3A_12 = arith.constant 2 : index
    %get3A_13 = arith.constant 0 : index
    %get3A_14 = arith.constant 0 : index
    %get3A_15 = vector.load %arg0[%get3A_11, %get3A_12, %get3A_13, %get3A_14] : memref<2x16x720x128xf32, #tpu.memory_space<vmem>>, vector<2x1x720x128xf32>
    %get3A_16 = vector.shape_cast %get3A_15 : vector<2x1x720x128xf32> to vector<2x720x128xf32>
    %add3A_17 = arith.addf %add3A, %get3A_16 : vector<2x720x128xf32>
    %get3A_18 = arith.constant 0 : index
    %get3A_19 = arith.constant 3 : index
    %get3A_20 = arith.constant 0 : index
    %get3A_21 = arith.constant 0 : index
    %get3A_22 = vector.load %arg0[%get3A_18, %get3A_19, %get3A_20, %get3A_21] : memref<2x16x720x128xf32, #tpu.memory_space<vmem>>, vector<2x1x720x128xf32>
    %get3A_23 = vector.shape_cast %get3A_22 : vector<2x1x720x128xf32> to vector<2x720x128xf32>
    %add3A_24 = arith.addf %add3A_17, %get3A_23 : vector<2x720x128xf32>
    %get3A_25 = arith.constant 0 : index
    %get3A_26 = arith.constant 4 : index
    %get3A_27 = arith.constant 0 : index
    %get3A_28 = arith.constant 0 : index
    %get3A_29 = vector.load %arg0[%get3A_25, %get3A_26, %get3A_27, %get3A_28] : memref<2x16x720x128xf32, #tpu.memory_space<vmem>>, vector<2x1x720x128xf32>
    %get3A_30 = vector.shape_cast %get3A_29 : vector<2x1x720x128xf32> to vector<2x720x128xf32>
    %add3A_31 = arith.addf %add3A_24, %get3A_30 : vector<2x720x128xf32>
    %get3A_32 = arith.constant 0 : index
    %get3A_33 = arith.constant 5 : index
    %get3A_34 = arith.constant 0 : index
    %get3A_35 = arith.constant 0 : index
    %get3A_36 = vector.load %arg0[%get3A_32, %get3A_33, %get3A_34, %get3A_35] : memref<2x16x720x128xf32, #tpu.memory_space<vmem>>, vector<2x1x720x128xf32>
    %get3A_37 = vector.shape_cast %get3A_36 : vector<2x1x720x128xf32> to vector<2x720x128xf32>
    %add3A_38 = arith.addf %add3A_31, %get3A_37 : vector<2x720x128xf32>
    %get3A_39 = arith.constant 0 : index
    %get3A_40 = arith.constant 6 : index
    %get3A_41 = arith.constant 0 : index
    %get3A_42 = arith.constant 0 : index
    %get3A_43 = vector.load %arg0[%get3A_39, %get3A_40, %get3A_41, %get3A_42] : memref<2x16x720x128xf32, #tpu.memory_space<vmem>>, vector<2x1x720x128xf32>
    %get3A_44 = vector.shape_cast %get3A_43 : vector<2x1x720x128xf32> to vector<2x720x128xf32>
    %add3A_45 = arith.addf %add3A_38, %get3A_44 : vector<2x720x128xf32>
    %get3A_46 = arith.constant 0 : index
    %get3A_47 = arith.constant 7 : index
    %get3A_48 = arith.constant 0 : index
    %get3A_49 = arith.constant 0 : index
    %get3A_50 = vector.load %arg0[%get3A_46, %get3A_47, %get3A_48, %get3A_49] : memref<2x16x720x128xf32, #tpu.memory_space<vmem>>, vector<2x1x720x128xf32>
    %get3A_51 = vector.shape_cast %get3A_50 : vector<2x1x720x128xf32> to vector<2x720x128xf32>
    %add3A_52 = arith.addf %add3A_45, %get3A_51 : vector<2x720x128xf32>
    %get3A_53 = arith.constant 0 : index
    %get3A_54 = arith.constant 8 : index
    %get3A_55 = arith.constant 0 : index
    %get3A_56 = arith.constant 0 : index
    %get3A_57 = vector.load %arg0[%get3A_53, %get3A_54, %get3A_55, %get3A_56] : memref<2x16x720x128xf32, #tpu.memory_space<vmem>>, vector<2x1x720x128xf32>
    %get3A_58 = vector.shape_cast %get3A_57 : vector<2x1x720x128xf32> to vector<2x720x128xf32>
    %add3A_59 = arith.addf %add3A_52, %get3A_58 : vector<2x720x128xf32>
    %get3A_60 = arith.constant 0 : index
    %get3A_61 = arith.constant 9 : index
    %get3A_62 = arith.constant 0 : index
    %get3A_63 = arith.constant 0 : index
    %get3A_64 = vector.load %arg0[%get3A_60, %get3A_61, %get3A_62, %get3A_63] : memref<2x16x720x128xf32, #tpu.memory_space<vmem>>, vector<2x1x720x128xf32>
    %get3A_65 = vector.shape_cast %get3A_64 : vector<2x1x720x128xf32> to vector<2x720x128xf32>
    %add3A_66 = arith.addf %add3A_59, %get3A_65 : vector<2x720x128xf32>
    %get3A_67 = arith.constant 0 : index
    %get3A_68 = arith.constant 10 : index
    %get3A_69 = arith.constant 0 : index
    %get3A_70 = arith.constant 0 : index
    %get3A_71 = vector.load %arg0[%get3A_67, %get3A_68, %get3A_69, %get3A_70] : memref<2x16x720x128xf32, #tpu.memory_space<vmem>>, vector<2x1x720x128xf32>
    %get3A_72 = vector.shape_cast %get3A_71 : vector<2x1x720x128xf32> to vector<2x720x128xf32>
    %add3A_73 = arith.addf %add3A_66, %get3A_72 : vector<2x720x128xf32>
    %get3A_74 = arith.constant 0 : index
    %get3A_75 = arith.constant 11 : index
    %get3A_76 = arith.constant 0 : index
    %get3A_77 = arith.constant 0 : index
    %get3A_78 = vector.load %arg0[%get3A_74, %get3A_75, %get3A_76, %get3A_77] : memref<2x16x720x128xf32, #tpu.memory_space<vmem>>, vector<2x1x720x128xf32>
    %get3A_79 = vector.shape_cast %get3A_78 : vector<2x1x720x128xf32> to vector<2x720x128xf32>
    %add3A_80 = arith.addf %add3A_73, %get3A_79 : vector<2x720x128xf32>
    %get3A_81 = arith.constant 0 : index
    %get3A_82 = arith.constant 12 : index
    %get3A_83 = arith.constant 0 : index
    %get3A_84 = arith.constant 0 : index
    %get3A_85 = vector.load %arg0[%get3A_81, %get3A_82, %get3A_83, %get3A_84] : memref<2x16x720x128xf32, #tpu.memory_space<vmem>>, vector<2x1x720x128xf32>
    %get3A_86 = vector.shape_cast %get3A_85 : vector<2x1x720x128xf32> to vector<2x720x128xf32>
    %add3A_87 = arith.addf %add3A_80, %get3A_86 : vector<2x720x128xf32>
    %get3A_88 = arith.constant 0 : index
    %get3A_89 = arith.constant 13 : index
    %get3A_90 = arith.constant 0 : index
    %get3A_91 = arith.constant 0 : index
    %get3A_92 = vector.load %arg0[%get3A_88, %get3A_89, %get3A_90, %get3A_91] : memref<2x16x720x128xf32, #tpu.memory_space<vmem>>, vector<2x1x720x128xf32>
    %get3A_93 = vector.shape_cast %get3A_92 : vector<2x1x720x128xf32> to vector<2x720x128xf32>
    %add3A_94 = arith.addf %add3A_87, %get3A_93 : vector<2x720x128xf32>
    %get3A_95 = arith.constant 0 : index
    %get3A_96 = arith.constant 14 : index
    %get3A_97 = arith.constant 0 : index
    %get3A_98 = arith.constant 0 : index
    %get3A_99 = vector.load %arg0[%get3A_95, %get3A_96, %get3A_97, %get3A_98] : memref<2x16x720x128xf32, #tpu.memory_space<vmem>>, vector<2x1x720x128xf32>
    %get3A_100 = vector.shape_cast %get3A_99 : vector<2x1x720x128xf32> to vector<2x720x128xf32>
    %add3A_101 = arith.addf %add3A_94, %get3A_100 : vector<2x720x128xf32>
    %get3A_102 = arith.constant 0 : index
    %get3A_103 = arith.constant 15 : index
    %get3A_104 = arith.constant 0 : index
    %get3A_105 = arith.constant 0 : index
    %get3A_106 = vector.load %arg0[%get3A_102, %get3A_103, %get3A_104, %get3A_105] : memref<2x16x720x128xf32, #tpu.memory_space<vmem>>, vector<2x1x720x128xf32>
    %get3A_107 = vector.shape_cast %get3A_106 : vector<2x1x720x128xf32> to vector<2x720x128xf32>
    %add3A_108 = arith.addf %add3A_101, %get3A_107 : vector<2x720x128xf32>
    %swap3A = arith.constant 0 : index
    %swap3A_109 = arith.constant 0 : index
    %swap3A_110 = arith.constant 0 : index
    %swap3A_111 = vector.load %arg1[%swap3A, %swap3A_109, %swap3A_110] : memref<2x720x128xf32, #tpu.memory_space<vmem>>, vector<2x720x128xf32>
    tpu.vector_store %arg1[%swap3A, %swap3A_109, %swap3A_110], %add3A_108 {strides = array<i32>} : memref<2x720x128xf32, #tpu.memory_space<vmem>>, vector<2x720x128xf32>,
    return
  }
}

module attributes {stable_mosaic.version = 14 : i64} {
  func.func @_mid_body(%arg0: memref<2x10240x9xf32, #tpu.memory_space<vmem>>, %arg1: memref<1x16xf32, #tpu.memory_space<vmem>>, %arg2: memref<16x16xf32, #tpu.memory_space<vmem>>, %arg3: memref<1x16xf32, #tpu.memory_space<vmem>>, %arg4: memref<16x16xf32, #tpu.memory_space<vmem>>, %arg5: memref<1x16xf32, #tpu.memory_space<vmem>>, %arg6: memref<16x16xf32, #tpu.memory_space<vmem>>, %arg7: memref<16x4xf32, #tpu.memory_space<vmem>>, %arg8: memref<10000x16xf32, #tpu.memory_space<vmem>>, %arg9: memref<4x10000xf32, #tpu.memory_space<vmem>>) attributes {dimension_semantics = [], scalar_prefetch = 0 : i64, scratch_operands = 0 : i64, tpu.core_type = #tpu.core_type<tc>} {
    %get3A = arith.constant 0 : index
    %get3A_0 = arith.constant 0 : index
    %get3A_1 = arith.constant 0 : index
    %get3A_2 = vector.load %arg0[%get3A, %get3A_0, %get3A_1] : memref<2x10240x9xf32, #tpu.memory_space<vmem>>, vector<1x10000x9xf32>
    %get3A_3 = vector.shape_cast %get3A_2 : vector<1x10000x9xf32> to vector<10000x9xf32>
    %slice3A = vector.extract_strided_slice %get3A_3 {offsets = [0, 0], sizes = [10000, 8], strides = [1, 1]} : vector<10000x9xf32> to vector<10000x8xf32>
    %slice3A_4 = vector.extract_strided_slice %get3A_3 {offsets = [0, 8], sizes = [10000, 1], strides = [1, 1]} : vector<10000x9xf32> to vector<10000x1xf32>
    %add3A = arith.constant 1.000000e-16 : f32
    %add3A_5 = vector.broadcast %add3A : f32 to vector<10000x1xf32>
    %add3A_6 = arith.addf %slice3A_4, %add3A_5 : vector<10000x1xf32>
    %div3A = vector.broadcast %add3A_6 : vector<10000x1xf32> to vector<10000x8xf32>
    %div3A_7 = arith.divf %slice3A, %div3A : vector<10000x8xf32>
    %get3A_8 = arith.constant 1 : index
    %get3A_9 = arith.constant 0 : index
    %get3A_10 = arith.constant 0 : index
    %get3A_11 = vector.load %arg0[%get3A_8, %get3A_9, %get3A_10] : memref<2x10240x9xf32, #tpu.memory_space<vmem>>, vector<1x10000x9xf32>
    %get3A_12 = vector.shape_cast %get3A_11 : vector<1x10000x9xf32> to vector<10000x9xf32>
    %slice3A_13 = vector.extract_strided_slice %get3A_12 {offsets = [0, 0], sizes = [10000, 8], strides = [1, 1]} : vector<10000x9xf32> to vector<10000x8xf32>
    %slice3A_14 = vector.extract_strided_slice %get3A_12 {offsets = [0, 8], sizes = [10000, 1], strides = [1, 1]} : vector<10000x9xf32> to vector<10000x1xf32>
    %add3A_15 = arith.constant 1.000000e-16 : f32
    %add3A_16 = vector.broadcast %add3A_15 : f32 to vector<10000x1xf32>
    %add3A_17 = arith.addf %slice3A_14, %add3A_16 : vector<10000x1xf32>
    %div3A_18 = vector.broadcast %add3A_17 : vector<10000x1xf32> to vector<10000x8xf32>
    %div3A_19 = arith.divf %slice3A_13, %div3A_18 : vector<10000x8xf32>
    %concatenate3A = tpu.concatenate %div3A_7, %div3A_19 in 1 : vector<10000x8xf32>, vector<10000x8xf32> -> vector<10000x16xf32>
    %get3A_20 = arith.constant 0 : index
    %get3A_21 = arith.constant 0 : index
    %get3A_22 = vector.load %arg1[%get3A_20, %get3A_21] : memref<1x16xf32, #tpu.memory_space<vmem>>, vector<1x16xf32>
    %add3A_23 = vector.broadcast %get3A_22 : vector<1x16xf32> to vector<10000x16xf32>
    %add3A_24 = arith.addf %concatenate3A, %add3A_23 : vector<10000x16xf32>
    %max3A = arith.constant 0.000000e+00 : f32
    %max3A_25 = vector.broadcast %max3A : f32 to vector<10000x16xf32>
    %max3A_26 = arith.maximumf %add3A_24, %max3A_25 : vector<10000x16xf32>
    %reduce_sum3A = arith.constant dense<0.000000e+00> : vector<16xf32>
    %reduce_sum3A_27 = vector.multi_reduction <add>, %max3A_26, %reduce_sum3A [0] : vector<10000x16xf32> to vector<16xf32>
    %broadcast_in_dim3A = vector.shape_cast %reduce_sum3A_27 : vector<16xf32> to vector<1x16xf32>
    %div3A_28 = arith.constant 1.000000e+04 : f32
    %div3A_29 = vector.broadcast %div3A_28 : f32 to vector<1x16xf32>
    %div3A_30 = arith.divf %broadcast_in_dim3A, %div3A_29 : vector<1x16xf32>
    %get3A_31 = arith.constant 0 : index
    %get3A_32 = arith.constant 0 : index
    %get3A_33 = vector.load %arg2[%get3A_31, %get3A_32] : memref<16x16xf32, #tpu.memory_space<vmem>>, vector<16x16xf32>
    %dot_general3A = arith.constant dense<0.000000e+00> : vector<1x16xf32>
    %dot_general3A_34 = tpu.matmul %div3A_30, %get3A_33, %dot_general3A {dimension_numbers = #tpu.dot_dimension_numbers<[1], [0], [0], [1], [0, 0, 1, 1], [], []>, transpose_lhs_hint = false} : vector<1x16xf32>, vector<16x16xf32>, vector<1x16xf32> -> vector<1x16xf32>
    %get3A_35 = arith.constant 0 : index
    %get3A_36 = arith.constant 0 : index
    %get3A_37 = vector.load %arg3[%get3A_35, %get3A_36] : memref<1x16xf32, #tpu.memory_space<vmem>>, vector<1x16xf32>
    %add3A_38 = arith.addf %dot_general3A_34, %get3A_37 : vector<1x16xf32>
    %max3A_39 = arith.constant 0.000000e+00 : f32
    %max3A_40 = vector.broadcast %max3A_39 : f32 to vector<1x16xf32>
    %max3A_41 = arith.maximumf %add3A_38, %max3A_40 : vector<1x16xf32>
    %get3A_42 = arith.constant 0 : index
    %get3A_43 = arith.constant 0 : index
    %get3A_44 = vector.load %arg4[%get3A_42, %get3A_43] : memref<16x16xf32, #tpu.memory_space<vmem>>, vector<16x16xf32>
    %dot_general3A_45 = arith.constant dense<0.000000e+00> : vector<1x16xf32>
    %dot_general3A_46 = tpu.matmul %max3A_41, %get3A_44, %dot_general3A_45 {dimension_numbers = #tpu.dot_dimension_numbers<[1], [0], [0], [1], [0, 0, 1, 1], [], []>, transpose_lhs_hint = false} : vector<1x16xf32>, vector<16x16xf32>, vector<1x16xf32> -> vector<1x16xf32>
    %get3A_47 = arith.constant 0 : index
    %get3A_48 = arith.constant 0 : index
    %get3A_49 = vector.load %arg5[%get3A_47, %get3A_48] : memref<1x16xf32, #tpu.memory_space<vmem>>, vector<1x16xf32>
    %add3A_50 = arith.addf %dot_general3A_46, %get3A_49 : vector<1x16xf32>
    %logistic3A = arith.negf %add3A_50 : vector<1x16xf32>
    %logistic3A_51 = math.exp %logistic3A : vector<1x16xf32>
    %logistic3A_52 = arith.constant 1.000000e+00 : f32
    %logistic3A_53 = vector.broadcast %logistic3A_52 : f32 to vector<1x16xf32>
    %logistic3A_54 = arith.addf %logistic3A_53, %logistic3A_51 : vector<1x16xf32>
    %logistic3A_55 = arith.divf %logistic3A_53, %logistic3A_54 : vector<1x16xf32>
    %mul3A = vector.broadcast %logistic3A_55 : vector<1x16xf32> to vector<10000x16xf32>
    %mul3A_56 = arith.mulf %max3A_26, %mul3A : vector<10000x16xf32>
    %get3A_57 = arith.constant 0 : index
    %get3A_58 = arith.constant 0 : index
    %get3A_59 = vector.load %arg6[%get3A_57, %get3A_58] : memref<16x16xf32, #tpu.memory_space<vmem>>, vector<16x16xf32>
    %dot_general3A_60 = arith.constant dense<0.000000e+00> : vector<10000x16xf32>
    %dot_general3A_61 = tpu.matmul %mul3A_56, %get3A_59, %dot_general3A_60 {dimension_numbers = #tpu.dot_dimension_numbers<[1], [0], [0], [1], [0, 0, 1, 1], [], []>, transpose_lhs_hint = false} : vector<10000x16xf32>, vector<16x16xf32>, vector<10000x16xf32> -> vector<10000x16xf32>
    %swap3A = arith.constant 0 : index
    %swap3A_62 = arith.constant 0 : index
    %swap3A_63 = vector.load %arg8[%swap3A, %swap3A_62] : memref<10000x16xf32, #tpu.memory_space<vmem>>, vector<10000x16xf32>
    tpu.vector_store %arg8[%swap3A, %swap3A_62], %dot_general3A_61 {strides = array<i32>} : memref<10000x16xf32, #tpu.memory_space<vmem>>, vector<10000x16xf32>,
    %get3A_64 = arith.constant 0 : index
    %get3A_65 = arith.constant 0 : index
    %get3A_66 = vector.load %arg7[%get3A_64, %get3A_65] : memref<16x4xf32, #tpu.memory_space<vmem>>, vector<16x4xf32>
    %dot_general3A_67 = arith.constant dense<0.000000e+00> : vector<4x10000xf32>
    %dot_general3A_68 = tpu.matmul %get3A_66, %dot_general3A_61, %dot_general3A_67 {dimension_numbers = #tpu.dot_dimension_numbers<[0], [1], [1], [0], [0, 1, 1, 0], [], []>, transpose_lhs_hint = false} : vector<16x4xf32>, vector<10000x16xf32>, vector<4x10000xf32> -> vector<4x10000xf32>
    %swap3A_69 = arith.constant 0 : index
    %swap3A_70 = arith.constant 0 : index
    %swap3A_71 = vector.load %arg9[%swap3A_69, %swap3A_70] : memref<4x10000xf32, #tpu.memory_space<vmem>>, vector<4x10000xf32>
    tpu.vector_store %arg9[%swap3A_69, %swap3A_70], %dot_general3A_68 {strides = array<i32>} : memref<4x10000xf32, #tpu.memory_space<vmem>>, vector<4x10000xf32>,
    return
  }
}

module attributes {stable_mosaic.version = 14 : i64} {
  func.func @_fin_body(%arg0: memref<2x10240x9xf32, #tpu.memory_space<vmem>>, %arg1: memref<1x16xf32, #tpu.memory_space<vmem>>, %arg2: memref<16x16xf32, #tpu.memory_space<vmem>>, %arg3: memref<1x16xf32, #tpu.memory_space<vmem>>, %arg4: memref<16x16xf32, #tpu.memory_space<vmem>>, %arg5: memref<1x16xf32, #tpu.memory_space<vmem>>, %arg6: memref<10000x16xf32, #tpu.memory_space<vmem>>, %arg7: memref<16x16xf32, #tpu.memory_space<vmem>>, %arg8: memref<1x16xf32, #tpu.memory_space<vmem>>, %arg9: memref<10000x16xf32, #tpu.memory_space<vmem>>) attributes {dimension_semantics = [], scalar_prefetch = 0 : i64, scratch_operands = 0 : i64, tpu.core_type = #tpu.core_type<tc>} {
    %get3A = arith.constant 0 : index
    %get3A_0 = arith.constant 0 : index
    %get3A_1 = arith.constant 0 : index
    %get3A_2 = vector.load %arg0[%get3A, %get3A_0, %get3A_1] : memref<2x10240x9xf32, #tpu.memory_space<vmem>>, vector<1x10000x9xf32>
    %get3A_3 = vector.shape_cast %get3A_2 : vector<1x10000x9xf32> to vector<10000x9xf32>
    %slice3A = vector.extract_strided_slice %get3A_3 {offsets = [0, 0], sizes = [10000, 8], strides = [1, 1]} : vector<10000x9xf32> to vector<10000x8xf32>
    %slice3A_4 = vector.extract_strided_slice %get3A_3 {offsets = [0, 8], sizes = [10000, 1], strides = [1, 1]} : vector<10000x9xf32> to vector<10000x1xf32>
    %add3A = arith.constant 1.000000e-16 : f32
    %add3A_5 = vector.broadcast %add3A : f32 to vector<10000x1xf32>
    %add3A_6 = arith.addf %slice3A_4, %add3A_5 : vector<10000x1xf32>
    %div3A = vector.broadcast %add3A_6 : vector<10000x1xf32> to vector<10000x8xf32>
    %div3A_7 = arith.divf %slice3A, %div3A : vector<10000x8xf32>
    %get3A_8 = arith.constant 1 : index
    %get3A_9 = arith.constant 0 : index
    %get3A_10 = arith.constant 0 : index
    %get3A_11 = vector.load %arg0[%get3A_8, %get3A_9, %get3A_10] : memref<2x10240x9xf32, #tpu.memory_space<vmem>>, vector<1x10000x9xf32>
    %get3A_12 = vector.shape_cast %get3A_11 : vector<1x10000x9xf32> to vector<10000x9xf32>
    %slice3A_13 = vector.extract_strided_slice %get3A_12 {offsets = [0, 0], sizes = [10000, 8], strides = [1, 1]} : vector<10000x9xf32> to vector<10000x8xf32>
    %slice3A_14 = vector.extract_strided_slice %get3A_12 {offsets = [0, 8], sizes = [10000, 1], strides = [1, 1]} : vector<10000x9xf32> to vector<10000x1xf32>
    %add3A_15 = arith.constant 1.000000e-16 : f32
    %add3A_16 = vector.broadcast %add3A_15 : f32 to vector<10000x1xf32>
    %add3A_17 = arith.addf %slice3A_14, %add3A_16 : vector<10000x1xf32>
    %div3A_18 = vector.broadcast %add3A_17 : vector<10000x1xf32> to vector<10000x8xf32>
    %div3A_19 = arith.divf %slice3A_13, %div3A_18 : vector<10000x8xf32>
    %concatenate3A = tpu.concatenate %div3A_7, %div3A_19 in 1 : vector<10000x8xf32>, vector<10000x8xf32> -> vector<10000x16xf32>
    %get3A_20 = arith.constant 0 : index
    %get3A_21 = arith.constant 0 : index
    %get3A_22 = vector.load %arg1[%get3A_20, %get3A_21] : memref<1x16xf32, #tpu.memory_space<vmem>>, vector<1x16xf32>
    %add3A_23 = vector.broadcast %get3A_22 : vector<1x16xf32> to vector<10000x16xf32>
    %add3A_24 = arith.addf %concatenate3A, %add3A_23 : vector<10000x16xf32>
    %max3A = arith.constant 0.000000e+00 : f32
    %max3A_25 = vector.broadcast %max3A : f32 to vector<10000x16xf32>
    %max3A_26 = arith.maximumf %add3A_24, %max3A_25 : vector<10000x16xf32>
    %reduce_sum3A = arith.constant dense<0.000000e+00> : vector<16xf32>
    %reduce_sum3A_27 = vector.multi_reduction <add>, %max3A_26, %reduce_sum3A [0] : vector<10000x16xf32> to vector<16xf32>
    %broadcast_in_dim3A = vector.shape_cast %reduce_sum3A_27 : vector<16xf32> to vector<1x16xf32>
    %div3A_28 = arith.constant 1.000000e+04 : f32
    %div3A_29 = vector.broadcast %div3A_28 : f32 to vector<1x16xf32>
    %div3A_30 = arith.divf %broadcast_in_dim3A, %div3A_29 : vector<1x16xf32>
    %get3A_31 = arith.constant 0 : index
    %get3A_32 = arith.constant 0 : index
    %get3A_33 = vector.load %arg2[%get3A_31, %get3A_32] : memref<16x16xf32, #tpu.memory_space<vmem>>, vector<16x16xf32>
    %dot_general3A = arith.constant dense<0.000000e+00> : vector<1x16xf32>
    %dot_general3A_34 = tpu.matmul %div3A_30, %get3A_33, %dot_general3A {dimension_numbers = #tpu.dot_dimension_numbers<[1], [0], [0], [1], [0, 0, 1, 1], [], []>, transpose_lhs_hint = false} : vector<1x16xf32>, vector<16x16xf32>, vector<1x16xf32> -> vector<1x16xf32>
    %get3A_35 = arith.constant 0 : index
    %get3A_36 = arith.constant 0 : index
    %get3A_37 = vector.load %arg3[%get3A_35, %get3A_36] : memref<1x16xf32, #tpu.memory_space<vmem>>, vector<1x16xf32>
    %add3A_38 = arith.addf %dot_general3A_34, %get3A_37 : vector<1x16xf32>
    %max3A_39 = arith.constant 0.000000e+00 : f32
    %max3A_40 = vector.broadcast %max3A_39 : f32 to vector<1x16xf32>
    %max3A_41 = arith.maximumf %add3A_38, %max3A_40 : vector<1x16xf32>
    %get3A_42 = arith.constant 0 : index
    %get3A_43 = arith.constant 0 : index
    %get3A_44 = vector.load %arg4[%get3A_42, %get3A_43] : memref<16x16xf32, #tpu.memory_space<vmem>>, vector<16x16xf32>
    %dot_general3A_45 = arith.constant dense<0.000000e+00> : vector<1x16xf32>
    %dot_general3A_46 = tpu.matmul %max3A_41, %get3A_44, %dot_general3A_45 {dimension_numbers = #tpu.dot_dimension_numbers<[1], [0], [0], [1], [0, 0, 1, 1], [], []>, transpose_lhs_hint = false} : vector<1x16xf32>, vector<16x16xf32>, vector<1x16xf32> -> vector<1x16xf32>
    %get3A_47 = arith.constant 0 : index
    %get3A_48 = arith.constant 0 : index
    %get3A_49 = vector.load %arg5[%get3A_47, %get3A_48] : memref<1x16xf32, #tpu.memory_space<vmem>>, vector<1x16xf32>
    %add3A_50 = arith.addf %dot_general3A_46, %get3A_49 : vector<1x16xf32>
    %logistic3A = arith.negf %add3A_50 : vector<1x16xf32>
    %logistic3A_51 = math.exp %logistic3A : vector<1x16xf32>
    %logistic3A_52 = arith.constant 1.000000e+00 : f32
    %logistic3A_53 = vector.broadcast %logistic3A_52 : f32 to vector<1x16xf32>
    %logistic3A_54 = arith.addf %logistic3A_53, %logistic3A_51 : vector<1x16xf32>
    %logistic3A_55 = arith.divf %logistic3A_53, %logistic3A_54 : vector<1x16xf32>
    %mul3A = vector.broadcast %logistic3A_55 : vector<1x16xf32> to vector<10000x16xf32>
    %mul3A_56 = arith.mulf %max3A_26, %mul3A : vector<10000x16xf32>
    %get3A_57 = arith.constant 0 : index
    %get3A_58 = arith.constant 0 : index
    %get3A_59 = vector.load %arg6[%get3A_57, %get3A_58] : memref<10000x16xf32, #tpu.memory_space<vmem>>, vector<10000x16xf32>
    %add3A_60 = arith.addf %mul3A_56, %get3A_59 : vector<10000x16xf32>
    %get3A_61 = arith.constant 0 : index
    %get3A_62 = arith.constant 0 : index
    %get3A_63 = vector.load %arg7[%get3A_61, %get3A_62] : memref<16x16xf32, #tpu.memory_space<vmem>>, vector<16x16xf32>
    %dot_general3A_64 = arith.constant dense<0.000000e+00> : vector<10000x16xf32>
    %dot_general3A_65 = tpu.matmul %add3A_60, %get3A_63, %dot_general3A_64 {dimension_numbers = #tpu.dot_dimension_numbers<[1], [0], [0], [1], [0, 0, 1, 1], [], []>, transpose_lhs_hint = false} : vector<10000x16xf32>, vector<16x16xf32>, vector<10000x16xf32> -> vector<10000x16xf32>
    %get3A_66 = arith.constant 0 : index
    %get3A_67 = arith.constant 0 : index
    %get3A_68 = vector.load %arg8[%get3A_66, %get3A_67] : memref<1x16xf32, #tpu.memory_space<vmem>>, vector<1x16xf32>
    %add3A_69 = vector.broadcast %get3A_68 : vector<1x16xf32> to vector<10000x16xf32>
    %add3A_70 = arith.addf %dot_general3A_65, %add3A_69 : vector<10000x16xf32>
    %logistic3A_71 = arith.negf %add3A_70 : vector<10000x16xf32>
    %logistic3A_72 = math.exp %logistic3A_71 : vector<10000x16xf32>
    %logistic3A_73 = arith.constant 1.000000e+00 : f32
    %logistic3A_74 = vector.broadcast %logistic3A_73 : f32 to vector<10000x16xf32>
    %logistic3A_75 = arith.addf %logistic3A_74, %logistic3A_72 : vector<10000x16xf32>
    %logistic3A_76 = arith.divf %logistic3A_74, %logistic3A_75 : vector<10000x16xf32>
    %swap3A = arith.constant 0 : index
    %swap3A_77 = arith.constant 0 : index
    %swap3A_78 = vector.load %arg9[%swap3A, %swap3A_77] : memref<10000x16xf32, #tpu.memory_space<vmem>>, vector<10000x16xf32>
    tpu.vector_store %arg9[%swap3A, %swap3A_77], %logistic3A_76 {strides = array<i32>} : memref<10000x16xf32, #tpu.memory_space<vmem>>, vector<10000x16xf32>,
    return
  }
}

</mosaic_0001>

<sc_bundles>
// kernel: kernel.12.cloned.1.call-start
scs
__scs_entry_jumppad:
0x0: {  	(pc) =	sbr.rel $0x88, $3  }
0x1: {  	(tag) =	ssettag $0x0;
	lr =	simm.s32 $0x1  }
0x2: {  	[smem:$0x3F8B] =	sst lr;
	_ =	strace $0xD0000000  }
0x3: {  	_ = 	snop  }
0x4: {  	_ = 	snop  }
0x5: {  	_ = 	snop  }
0x6: {  	_ = 	snop  }
0x7: {  	_ = 	snop  }
__scs_overlays_trampoline_lowered:
0x8: {  	[smem:$0x3F9A] =	sst s0  }
0x9: {  	[smem:$0x3F9B] =	sst s1  }
0xa: {  	[smem:$0x3F9C] =	sst s2  }
0xb: {  	[smem:$0x3F9D] =	sst s3  }
0xc: {  	[smem:$0x3F9E] =	sst s4  }
0xd: {  	[smem:$0x3F9F] =	sst s5  }
0xe: {  	[smem:$0x3FA0] =	sst s6  }
0xf: {  	[smem:$0x3FA1] =	sst s7  }
0x10: {  	[smem:$0x3FA2] =	sst s8  }
0x11: {  	[smem:$0x3FA3] =	sst s9;
	s0 =	simm.s32 @!p0 $0x0  }
0x12: {  	s1 =	sld [smem:$0x3F89];
	s0 =	simm.s32 @p0 $0x1  }
0x13: {  	[smem:$0x3FA4] =	sst s0;
	s0 =	simm.s32 @!p1 $0x0  }
0x14: {  	s2 =	sld [smem:$0x3F88];
	s0 =	simm.s32 @p1 $0x1  }
0x15: {  	[smem:$0x3FA5] =	sst s0;
	s0 =	simm.s32 @!p2 $0x0  }
0x16: {  	s3 =	sld [smem:$0x3FDB];
	s0 =	simm.s32 @p2 $0x1  }
0x17: {  	s4 =	simm.s32 $0x1BF5;
	[smem:$0x3FA7] =	sst s0  }
0x18: {  	s0 =	sld [smem:$0x3F8A];
	_ =	swait.ge [sflag:s4], $0x0  }
0x19: {  	s7 =	sld [smem:$0x3F8B]  }
0x1a: {  	s8 =	sadd.s32 $0xFFFFE003, lr  }
0x1b: {  	s9 =	sadd.s32 $0xFFFFFEF7, lr;
	s5 =	simm.s32 $0xFFFFFFFF;
	p2 =	slt.u32 s8, $0xFFFFF086  }
0x1c: {  	p1 =	slt.u32 s9, $0xF7A;
	s5 =	simm.s32 @!p2 $0x0  }
0x1d: {  	s5 =	simm.s32 @p1 $0x1;
	p0 =	seq.s32 s7, s2  }
0x1e: {  	s7 =	smul.u32 @!p0 $0xF7A, s2;
	p2 =	seq.s32 @!p0 s5, $0x0  }
0x1f: {  	s9 =	smul.u32 $0xF7A, s1;
	s8 =	simm.s32 @!p0 $0x1BF5;
	p2 =	por !p2, p0  }
0x20: {  	[sflag:s8] =	ssyncset.s32 @!p0 $0xFFFFF086;
	s6 =	sadd.s32 @!p0 s3, s7;
	s7 =	simm.s32 @!p0 $0x108  }
0x21: {  	s3 =	sadd.s32 s3, s9;
	s6 =	sadd.s32 @!p0 $0x88, s6;
	s7 =	simm.s32 @p2 $0x1082  }
0x22: {  	[simem:s7], [sflag:s8] =	dma.local @!p0 [hbm:s6], $0xF7A  }
0x23: {  	s9 =	sor.u32 $0xD0000000, s2;
	s6 =	simm.s32 $0x108;
	_ =	swait.ge @!p0 [sflag:s8], $0x0  }
0x24: {  	s3 =	sadd.s32 $0x88, s3;
	s6 =	simm.s32 @!p1 $0x1082;
	[sflag:s4] =	ssyncset.s32 $0xFFFFF086  }
0x25: {  	[simem:s6], [sflag:s4] =	dma.local [hbm:s3], $0xF7A  }
0x26: {  	[smem:$0x3F8B] =	sst s1;
	(tag) =	ssettag s2;
	_ =	strace s9  }
0x27: {  	s1 =	sld [smem:$0x3F9B]  }
0x28: {  	s2 =	sld [smem:$0x3F9C]  }
0x29: {  	s4 =	sld [smem:$0x3F9E]  }
0x2a: {  	p0 =	seq.s32 s5, $0x0;
	s5 =	sld [smem:$0x3F9F]  }
0x2b: {  	s6 =	sld [smem:$0x3FA0]  }
0x2c: {  	s7 =	sld [smem:$0x3FA1]  }
0x2d: {  	s3 =	simm.s32 $0x108;
	s8 =	sld [smem:$0x3FA2]  }
0x2e: {  	s3 =	simm.s32 @!p0 $0x1082;
	s9 =	sld [smem:$0x3FA3]  }
0x2f: {  	lr =	sadd.s32 s0, s3;
	s0 =	sld [smem:$0x3F9A]  }
0x30: {  	s3 =	sld [smem:$0x3F9D]  }
0x31: {  	[smem:$0x3FA6] =	sst s10  }
0x32: {  	s10 =	sld [smem:$0x3FA4];
	_ =	sdelay $0x3  }
0x33: {  	p0 =	seq.s32 s10, $0x1;
	s10 =	sld [smem:$0x3FA6];
	_ =	sdelay $0x3  }
0x34: {  	[smem:$0x3FA6] =	sst s10  }
0x35: {  	s10 =	sld [smem:$0x3FA5];
	_ =	sdelay $0x3  }
0x36: {  	p1 =	seq.s32 s10, $0x1;
	s10 =	sld [smem:$0x3FA6];
	_ =	sdelay $0x3  }
0x37: {  	[smem:$0x3FA6] =	sst s10  }
0x38: {  	s10 =	sld [smem:$0x3FA7]  }
0x39: {  	_ = 	snop;
	(pc) =	sbr.ind lr, $3  }
0x3a: {  	_ = 	snop  }
0x3b: {  	_ = 	snop  }
0x3c: {  	p2 =	seq.s32 s10, $0x1;
	s10 =	sld [smem:$0x3FA6]  }
0x3d: {  	_ =	shalt  }
0x3e: {  	_ =	shalt  }
0x3f: {  	_ =	shalt  }
0x40: {  	_ =	shalt  }
0x41: {  	_ =	shalt  }
0x42: {  	_ =	shalt  }
0x43: {  	_ =	shalt  }
0x44: {  	_ =	shalt  }
0x45: {  	_ =	shalt  }
0x46: {  	_ =	shalt  }
0x47: {  	_ =	shalt  }
0x48: {  	_ =	shalt  }
0x49: {  	_ =	shalt  }
0x4a: {  	_ =	shalt  }
0x4b: {  	_ =	shalt  }
0x4c: {  	_ =	shalt  }
0x4d: {  	_ =	shalt  }
0x4e: {  	_ =	shalt  }
0x4f: {  	_ =	shalt  }
0x50: {  	_ =	shalt  }
0x51: {  	_ =	shalt  }
0x52: {  	_ =	shalt  }
0x53: {  	_ =	shalt  }
0x54: {  	_ =	shalt  }
0x55: {  	_ =	shalt  }
0x56: {  	_ =	shalt  }
0x57: {  	_ =	shalt  }
0x58: {  	_ =	shalt  }
0x59: {  	_ =	shalt  }
0x5a: {  	_ =	shalt  }
0x5b: {  	_ =	shalt  }
0x5c: {  	_ =	shalt  }
0x5d: {  	_ =	shalt  }
0x5e: {  	_ =	shalt  }
0x5f: {  	_ =	shalt  }
0x60: {  	_ =	shalt  }
0x61: {  	_ =	shalt  }
0x62: {  	_ =	shalt  }
0x63: {  	_ =	shalt  }
0x64: {  	_ =	shalt  }
0x65: {  	_ =	shalt  }
0x66: {  	_ =	shalt  }
0x67: {  	_ =	shalt  }
0x68: {  	_ =	shalt  }
0x69: {  	_ =	shalt  }
0x6a: {  	_ =	shalt  }
0x6b: {  	_ =	shalt  }
0x6c: {  	_ =	shalt  }
0x6d: {  	_ =	shalt  }
0x6e: {  	_ =	shalt  }
0x6f: {  	_ =	shalt  }
0x70: {  	_ =	shalt  }
0x71: {  	_ =	shalt  }
0x72: {  	_ =	shalt  }
0x73: {  	_ =	shalt  }
0x74: {  	_ =	shalt  }
0x75: {  	_ =	shalt  }
0x76: {  	_ =	shalt  }
0x77: {  	_ =	shalt  }
0x78: {  	_ =	shalt  }
0x79: {  	_ =	shalt  }
0x7a: {  	_ =	shalt  }
0x7b: {  	_ =	shalt  }
0x7c: {  	_ =	shalt  }
0x7d: {  	_ =	shalt  }
0x7e: {  	_ =	shalt  }
0x7f: {  	_ =	shalt  }
0x80: {  	_ =	shalt  }
0x81: {  	_ =	shalt  }
0x82: {  	_ =	shalt  }
0x83: {  	_ =	shalt  }
0x84: {  	_ =	shalt  }
0x85: {  	_ =	shalt  }
0x86: {  	_ =	shalt  }
0x87: {  	_ =	shalt  }
.Lfunc_end0:
.L_simem_size_0:
called_computation.1_lowered:
.L_overlay_start_0:
0x88: {  	s2 =	sld [smem:$0x3FD9]  }
0x89: {  	s3 =	sld [smem:$0x3FFE];
	_ =	sdelay $0x1  }
0x8a: {  	s1 =	srdreg.scid  }
0x8b: {  	s0 =	sand.u32 $0x1, s1  }
0x8c: {  	s16 =	sshll.u32 s0, $0xA;
	s2 =	sadd.s32 s3, s2  }
0x8d: {  	s2 =	sadd.s32 s2, s16  }
0x8e: {  	[smem:$0x3FB2] =	sst s2  }
0x8f: {  	_ = 	snop  }
0x90: {  	(tm) =	ssettm $0x1  }
0x91: {  	s17 =	sld [smem:$0x3FFB];
	_ =	sdelay $0x3  }
0x92: {  	_ =	strace s17  }
0x93: {  	s2 =	sld [smem:$0x3FFC];
	_ =	sdelay $0x3  }
0x94: {  	_ =	strace s2  }
0x95: {  	s2 =	sld [smem:$0x3FFD];
	_ =	sdelay $0x3  }
0x96: {  	_ =	strace s2  }
0x97: {  	_ =	strace $0x8FFFFFFF  }
0x98: {  	s18 =	sld [smem:$0x3FDB];
	_ =	sdelay $0x1  }
0x99: {  	s19 =	simm.s32 $_scs_section_size  }
0x9a: {  	s4 =	simm.s32 $_size__tile_overlayer_lowered;
	s5 =	simm.s32 $_tile_overlayer_lowered  }
0x9b: {  	s22 =	simm.s32 $0x1BFF;
	s21 =	sshll.u32 s5, $0x1;
	s2 =	sadd.s32 s19, s18  }
0x9c: {  	s6 =	simm.s32 $0x0;
	s20 =	sshll.u32 s4, $0x1;
	s4 =	sadd.s32 s21, s2  }
0x9d: {  	[timem:s6], [sflag:s22] =	dma.local [hbm:s4], s20  }
0x9e: {  	_ =	swait.ge [sflag:s22], s20  }
0x9f: {  	s3 =	ssub.s32 $0x0, s20;
	[sflag:s22] =	ssyncset.done $0x0  }
0xa0: {  	[sflag:s22] =	ssyncadd.s32 s3;
	_ =	sdelay $0x1  }
0xa1: {  	s23 =	simm.s32 $0x1B8B  }
0xa2: {  	_ =	swait.ge [sflag:s23], $0x1  }
0xa3: {  	[sflag:s23] =	ssyncset.done $0x0  }
0xa4: {  	s25 =	simm.s32 $0x1B8E;
	s24 =	sld [smem:$0x3FFE];
	[sflag:s23] =	ssyncadd.s32 $0xFFFFFFFF  }
0xa5: {  	s26 =	simm.s32 $execute0_lowered;
	[smem:$0x3FD2] =	sst s25  }
0xa6: {  	s4 =	sshll.u32 s26, $0x1;
	_ =	strace $0x80000049;
	[dreg:$0x1] =	wrdreg $0xFFFFFFFF  }
0xa7: {  	s28 =	simm.s32 $_size_execute0_lowered;
	s2 =	sadd.s32 s2, s4;
	[dreg:$0x0] =	wrdreg $0x0  }
0xa8: {  	s4 =	sshll.u32 s28, $0x1;
	[dreg:$0x2] =	wrdreg s2  }
0xa9: {  	[dreg:$0x3] =	wrdreg s4  }
0xaa: {  	[dreg:$0x4] =	wrdreg $0xC0  }
0xab: {  	_ =	task [dreg:s6], $0x5FFFF  }
0xac: {  	[dreg:$0x1] =	wrdreg $0xFFFFFFFF  }
0xad: {  	[dreg:$0x0] =	wrdreg $0x60  }
0xae: {  	[dreg:$0x2] =	wrdreg s24  }
0xaf: {  	[dreg:$0x3] =	wrdreg $0x9  }
0xb0: {  	_ =	task.clear_ibuf [dreg:s6], $0x4FFFF;
	_ =	strace $0x90000049  }
0xb1: {  	s29 =	simm.s32 $0x9;
	_ =	strace $0x8000004B  }
0xb2: {  	_ =	swait.ge [sflag:s29], $0x1  }
0xb3: {  	[sflag:s29] =	ssyncadd.s32 $0xFFFFFFFF  }
0xb4: {  	_ =	strace $0x9000004B  }
0xb5: {  	_ =	sfence  }
0xb6: {  	s30 =	sld [smem:$0x0];
	_ =	sdelay $0x2  }
0xb7: {  	s31 =	sshll.u32 s1, $0xD;
	s1 =	sshrl.u32 s1, $0x2  }
0xb8: {  	s3 =	sand.u32 $0x4000, s31;
	s1 =	sadd.s32 s1, s30  }
0xb9: {  	s0 =	sor.u32 s3, s0;
	s1 =	sshll.u32 s1, $0x11  }
0xba: {  	s0 =	sor.u32 s1, s0  }
0xbb: {  	s0 =	sadd.s32 $0x8F2B, s0  }
0xbc: {  	[sflag:s0] =	ssyncadd.remote.s32 $0x1  }
0xbd: {  	_ =	sfence.sel $0xFFFF  }
0xbe: {  	[dreg:$0x0] =	wrdreg $0xFFFFFFFF;
	(pc) =	sbr.abs _section_cstart, $3  }
0xbf: {  	[dreg:$0x1] =	wrdreg $0xFFFFFFFF  }
0xc0: {  	_ =	task.clear_ibuf [dreg:s6], $0x2FFFF;
	_ =	strace $0x9FFFFFFF  }
0xc1: {  	(tm) =	ssettm $0x7FFFFFFF  }
tec
execute0_lowered:
.L_overlay_start_1:
0x0: {  	(tag) =	ssettag $0x1  }
0x1: {  	s0 =	stileid.u32  }
0x2: {  	s1 =	srdreg.scid;
	s4 =	rddreg [dreg:$0x0];
	s2 =	simm.s32 $0x0  }
0x3: {  	s12 =	simm.s32 $0x2710;
	s13 =	simm.s32 $0x4E20;
	s14 =	simm.s32 $0x4F20  }
0x4: {  	s15 =	simm.s32 $0x80;
	s16 =	simm.s32 $0x5020;
	s17 =	simm.s32 $0x4EA0  }
0x5: {  	s18 =	simm.s32 $0x5820;
	s19 =	simm.s32 $0x1;
	s20 =	simm.s32 $0x6020  }
0x6: {  	s21 =	simm.s32 $0x11430;
	s22 =	simm.s32 $0x0;
	s5 =	smul.u32 $0xA00, s0  }
0x7: {  	s6 =	sand.u32 $0x1, s1;
	s1 =	rddreg [dreg:$0x1];
	s8 =	smul.u32 $0x16820, s0  }
0x8: {  	[smem:$0x7FF] =	sst s2;
	s3 =	sadd.s32 $0x2000, s4;
	s7 =	smul.u32 $0x168200, s6  }
0x9: {  	s9 =	sadd.s32 $0x7000, s4;
	s28 =	smul.u32 $0x2710, s6;
	s29 =	ssub.s32 $0x2, s6  }
0xa: {  	_ =	strace $0x8000004A;
	s6 =	smul.u32 $0x4E2, s6;
	s30 =	sshrl.u32 s29, $0x1  }
0xb: {  	s10 =	sadd.s32 s5, s4;
	s26 =	sadd.s32 s8, s7;
	s8 =	ssub.s32 s29, s30  }
0xc: {  	s31 =	sshrl.u32 s28, $0x3;
	s5 =	sshrl.u32 s26, $0x3;
	s8 =	smax.u32 s8, $0x1  }
0xd: {  	s11 =	sadd.s32 s5, s4;
	s4 =	sadd.s32 s9, s6;
	s5 =	sadd.s32 s9, s31  }
0xe: {  	s9 =	sadd.s32 $0x8600, s10;
	s10 =	sadd.s32 $0x12600, s10;
	s5 =	sadd.s32 $0x9C4, s5  }
0xf: {  	v0 =	vimm.f32 $0.0e+00;
	s6 =	sadd.s32 $0x1C600, s11;
	s7 =	sadd.s32 $0x1DC82, s11;
	s11 =	simm.s32 $0x2  }
.LBB2_1:
0x10: {  	[tilespmem:s2], [sflag:$0x2] =	stream.linear.gather [hbm4b:s4+s2], $0x2710, $0x38;
	[tilespmem:$0x1C840] =	vst v63  }
0x11: {  	_ =	swait.ge [sflag:s11], $0x2710  }
0x12: {  	[sflag:s11] =	ssyncset.done $0x0  }
0x13: {  	[sflag:s11] =	ssyncadd.s32 $0xFFFFD8F0  }
0x14: {  	[tilespmem:s12], [sflag:$0x2] =	stream.linear.gather [hbm4b:s5+s2], $0x2710, $0x38;
	[tilespmem:$0x1C840] =	vst v63  }
0x15: {  	_ =	swait.ge [sflag:s11], $0x2710  }
0x16: {  	[sflag:s11] =	ssyncset.done $0x0  }
0x17: {  	s23 =	simm.s32 $0x0;
	[sflag:s11] =	ssyncadd.s32 $0xFFFFD8F0  }
.LBB2_2:
0x18: {  	p0 =	sne.s32 s23, $0x2D000  }
.Ltmp0:
0x19: {  	_ = 	snop;
	(pc) =	sbr.rel @p0 .LBB2_2-.Ltmp0, $4  }
0x1a: {  	_ = 	snop  }
0x1b: {  	s24 =	sshra.s32 s23, $0x2  }
0x1c: {  	[tilespmem:s24+$0x6020] =	vst v0  }
0x1d: {  	s23 =	sadd.s32 $0x40, s23;
	[tilespmem:s24+$0x11430] =	vst v0  }
0x1e: {  	s23 =	sadd.s32 $0x0, s10  }
0x1f: {  	[tilespmem:s13], [sflag:$0x2] =	stream.linear.gather [hbm4b:s23+s2], $0x100, $0x38;
	[tilespmem:$0x1C840] =	vst v63  }
0x20: {  	_ =	swait.ge [sflag:s11], $0x100  }
0x21: {  	[sflag:s11] =	ssyncset.done $0x0  }
0x22: {  	s31 =	sadd.s32 $0x0, s9;
	[sflag:s11] =	ssyncadd.s32 $0xFFFFFF00  }
0x23: {  	[tilespmem:s14], [sflag:$0x2] =	stream.linear.gather [hbm4b:s31+s2], $0x100, $0x38;
	[tilespmem:$0x1C840] =	vst v63  }
0x24: {  	_ =	swait.ge [sflag:s11], $0x100  }
0x25: {  	[sflag:s11] =	ssyncset.done $0x0  }
0x26: {  	[sflag:s11] =	ssyncadd.s32 $0xFFFFFF00  }
0x27: {  	[tilespmem:s16], [sflag:$0x1] =	stream.indirect.gather [hbm4b:s3+s15], $0x10, s13, s15, $0xb8;
	[tilespmem:$0x1C840] =	vst v63  }
0x28: {  	_ = 	snop  }
0x29: {  	[tilespmem:s18], [sflag:$0x1] =	stream.indirect.gather [hbm4b:s3+s15], $0x10, s17, s15, $0xb8;
	[tilespmem:$0x1C840] =	vst v63  }
0x2a: {  	_ =	swait.ge [sflag:s19], $0x800  }
0x2b: {  	[sflag:s19] =	ssyncset.done $0x0  }
0x2c: {  	[sflag:s19] =	ssyncadd.s32 $0xFFFFF800  }
0x2d: {  	_ =	swait.ge [sflag:s19], $0x800  }
0x2e: {  	s24 =	simm.s32 $0x40;
	s23 =	simm.s32 $0x20;
	[sflag:s19] =	ssyncset.done $0x0  }
.LBB2_4:
0x2f: {  	s25 =	sadd.s32 s23, s10  }
0x30: {  	[sflag:s19] =	ssyncadd.s32 $0xFFFFF800;
	s26 =	smov.u32 s24;
	s28 =	sadd.s32 $0x20, s24  }
0x31: {  	[tilespmem:s13], [sflag:$0x2] =	stream.linear.gather [hbm4b:s25+s2], $0x100, $0x38;
	[tilespmem:$0x1C840] =	vst v63  }
0x32: {  	p0 =	sne.s32 s24, $0x9E0;
	_ =	swait.ge [sflag:s11], $0x100  }
0x33: {  	[sflag:s11] =	ssyncset.done $0x0  }
0x34: {  	s24 =	sadd.s32 s23, s9;
	s23 =	smov.u32 s26;
	[sflag:s11] =	ssyncadd.s32 $0xFFFFFF00  }
0x35: {  	[tilespmem:s14], [sflag:$0x2] =	stream.linear.gather [hbm4b:s24+s2], $0x100, $0x38;
	[tilespmem:$0x1C840] =	vst v63  }
0x36: {  	_ =	swait.ge [sflag:s11], $0x100  }
0x37: {  	[sflag:s11] =	ssyncset.done $0x0  }
0x38: {  	[sflag:s11] =	ssyncadd.s32 $0xFFFFFF00  }
0x39: {  	[tilespmem:s16], [sflag:$0x1] =	stream.indirect.gather [hbm4b:s3+s15], $0x10, s13, s15, $0xb8;
	[tilespmem:$0x1C840] =	vst v63  }
0x3a: {  	_ = 	snop  }
0x3b: {  	[tilespmem:s18], [sflag:$0x1] =	stream.indirect.gather [hbm4b:s3+s15], $0x10, s17, s15, $0xb8;
	[tilespmem:$0x1C840] =	vst v63  }
.Ltmp1:
0x3c: {  	_ =	swait.ge [sflag:s19], $0x800;
	(pc) =	sbr.rel @p0 .LBB2_4-.Ltmp1, $4  }
0x3d: {  	[sflag:s19] =	ssyncset.done $0x0  }
0x3e: {  	[sflag:s19] =	ssyncadd.s32 $0xFFFFF800  }
0x3f: {  	_ =	swait.ge [sflag:s19], $0x800  }
0x40: {  	s24 =	smov.u32 s28;
	[sflag:s19] =	ssyncset.done $0x0  }
0x41: {  	s24 =	sadd.s32 s23, s10;
	[sflag:s19] =	ssyncadd.s32 $0xFFFFF800  }
0x42: {  	[tilespmem:s13], [sflag:$0x2] =	stream.linear.gather [hbm4b:s24+s2], $0x100, $0x38;
	[tilespmem:$0x1C840] =	vst v63  }
0x43: {  	_ =	swait.ge [sflag:s11], $0x100  }
0x44: {  	[sflag:s11] =	ssyncset.done $0x0  }
0x45: {  	s31 =	sadd.s32 s23, s9;
	[sflag:s11] =	ssyncadd.s32 $0xFFFFFF00  }
0x46: {  	[tilespmem:s14], [sflag:$0x2] =	stream.linear.gather [hbm4b:s31+s2], $0x100, $0x38;
	[tilespmem:$0x1C840] =	vst v63  }
0x47: {  	_ =	swait.ge [sflag:s11], $0x100  }
0x48: {  	[sflag:s11] =	ssyncset.done $0x0  }
0x49: {  	[sflag:s11] =	ssyncadd.s32 $0xFFFFFF00  }
0x4a: {  	[tilespmem:s16], [sflag:$0x1] =	stream.indirect.gather [hbm4b:s3+s15], $0x10, s13, s15, $0xb8;
	[tilespmem:$0x1C840] =	vst v63  }
0x4b: {  	_ = 	snop  }
0x4c: {  	[tilespmem:s18], [sflag:$0x1] =	stream.indirect.gather [hbm4b:s3+s15], $0x10, s17, s15, $0xb8;
	[tilespmem:$0x1C840] =	vst v63  }
0x4d: {  	_ =	swait.ge [sflag:s19], $0x800  }
0x4e: {  	[sflag:s19] =	ssyncset.done $0x0  }
0x4f: {  	[sflag:s19] =	ssyncadd.s32 $0xFFFFF800  }
0x50: {  	_ =	swait.ge [sflag:s19], $0x800  }
0x51: {  	[sflag:s19] =	ssyncset.done $0x0  }
0x52: {  	[sflag:s19] =	ssyncadd.s32 $0xFFFFF800  }
0x53: {  	[hbm4b:s6+s2] =	stream.linear.scatter [tilespmem:s20], [sflag:$0x2], $0xB410, $0x38;
	[tilespmem:$0x1C840] =	vst v63  }
0x54: {  	s22 =	sadd.s32 $0x1, s22;
	_ =	swait.ge [sflag:s11], $0xB410  }
0x55: {  	p0 =	sne.s32 s22, s8;
	[sflag:s11] =	ssyncset.done $0x0  }
.Ltmp2:
0x56: {  	[sflag:s11] =	ssyncadd.s32 $0xFFFF4BF0;
	(pc) =	sbr.rel @p0 .LBB2_1-.Ltmp2, $4  }
0x57: {  	[hbm4b:s7+s2] =	stream.linear.scatter [tilespmem:s21], [sflag:$0x2], $0xB410, $0x38;
	[tilespmem:$0x1C840] =	vst v63  }
0x58: {  	_ =	swait.ge [sflag:s11], $0xB410  }
0x59: {  	[sflag:s11] =	ssyncset.done $0x0  }
0x5a: {  	[sflag:s11] =	ssyncadd.s32 $0xFFFF4BF0  }
0x5b: {  	_ =	sfence.sel $0x180000  }
0x5c: {  	[bflag:$0x0] =	sbarrier.arrive $0xFFFF  }
0x5d: {  	p0 =	sne.s32 s0, $0x0;
	_ =	strace $0x9000004A  }
0x5e: {  	s0 =	sadd.s32 @!p0 $0x100000, s1;
	[bflag:$0x2] =	sbarrier.arrive $0xFFFF  }
0x5f: {  	[sflag:s0] =	ssyncadd.tile.s32 @!p0 $0x1;
	_ =	shalt  }
.Lfunc_end2:
_tile_overlayer_lowered:
.L_overlay_start_2:
0x60: {  	(tag) =	ssettag $0x2  }
0x61: {  	s0 =	rddreg [dreg:$0x0];
	s2 =	stileid.u32  }
0x62: {  	s1 =	rddreg [dreg:$0x1];
	p0 =	sne.s32 s2, $0x0  }
0x63: {  	s3 =	rddreg [dreg:$0x2];
	[bflag:$0x3] =	sbarrier.arrive $0xFFFF;
	s2 =	simm.s32 @!p0 $0x1C02  }
0x64: {  	[timem:s3], [sflag:s2] =	dma.local @!p0 [hbm:s0], s1  }
0x65: {  	s0 =	simm.s32 @!p0 $0x2  }
0x66: {  	_ =	swait.ge @!p0 [sflag:s0], s1  }
0x67: {  	s1 =	ssub.s32 @!p0 $0x0, s1;
	[sflag:s0] =	ssyncset.done @!p0 $0x0  }
0x68: {  	[sflag:s0] =	ssyncadd.s32 @!p0 s1  }
0x69: {  	[bflag:$0x3] =	sbarrier.arrive $0xFFFF  }
0x6a: {  	_ =	shalt  }

// kernel: kernel.9.cloned.1.call-start
scs
__scs_entry_jumppad:
0x0: {  	(pc) =	sbr.rel $0x88, $3  }
0x1: {  	(tag) =	ssettag $0x0;
	lr =	simm.s32 $0x1  }
0x2: {  	[smem:$0x3F8B] =	sst lr;
	_ =	strace $0xD0000000  }
0x3: {  	_ = 	snop  }
0x4: {  	_ = 	snop  }
0x5: {  	_ = 	snop  }
0x6: {  	_ = 	snop  }
0x7: {  	_ = 	snop  }
__scs_overlays_trampoline_lowered:
0x8: {  	[smem:$0x3F9A] =	sst s0  }
0x9: {  	[smem:$0x3F9B] =	sst s1  }
0xa: {  	[smem:$0x3F9C] =	sst s2  }
0xb: {  	[smem:$0x3F9D] =	sst s3  }
0xc: {  	[smem:$0x3F9E] =	sst s4  }
0xd: {  	[smem:$0x3F9F] =	sst s5  }
0xe: {  	[smem:$0x3FA0] =	sst s6  }
0xf: {  	[smem:$0x3FA1] =	sst s7  }
0x10: {  	[smem:$0x3FA2] =	sst s8  }
0x11: {  	[smem:$0x3FA3] =	sst s9;
	s0 =	simm.s32 @!p0 $0x0  }
0x12: {  	s1 =	sld [smem:$0x3F89];
	s0 =	simm.s32 @p0 $0x1  }
0x13: {  	[smem:$0x3FA4] =	sst s0;
	s0 =	simm.s32 @!p1 $0x0  }
0x14: {  	s2 =	sld [smem:$0x3F88];
	s0 =	simm.s32 @p1 $0x1  }
0x15: {  	[smem:$0x3FA5] =	sst s0;
	s0 =	simm.s32 @!p2 $0x0  }
0x16: {  	s3 =	sld [smem:$0x3FDB];
	s0 =	simm.s32 @p2 $0x1  }
0x17: {  	s4 =	simm.s32 $0x1BF5;
	[smem:$0x3FA7] =	sst s0  }
0x18: {  	s0 =	sld [smem:$0x3F8A];
	_ =	swait.ge [sflag:s4], $0x0  }
0x19: {  	s7 =	sld [smem:$0x3F8B]  }
0x1a: {  	s8 =	sadd.s32 $0xFFFFE003, lr  }
0x1b: {  	s9 =	sadd.s32 $0xFFFFFEF7, lr;
	s5 =	simm.s32 $0xFFFFFFFF;
	p2 =	slt.u32 s8, $0xFFFFF086  }
0x1c: {  	p1 =	slt.u32 s9, $0xF7A;
	s5 =	simm.s32 @!p2 $0x0  }
0x1d: {  	s5 =	simm.s32 @p1 $0x1;
	p0 =	seq.s32 s7, s2  }
0x1e: {  	s7 =	smul.u32 @!p0 $0xF7A, s2;
	p2 =	seq.s32 @!p0 s5, $0x0  }
0x1f: {  	s9 =	smul.u32 $0xF7A, s1;
	s8 =	simm.s32 @!p0 $0x1BF5;
	p2 =	por !p2, p0  }
0x20: {  	[sflag:s8] =	ssyncset.s32 @!p0 $0xFFFFF086;
	s6 =	sadd.s32 @!p0 s3, s7;
	s7 =	simm.s32 @!p0 $0x108  }
0x21: {  	s3 =	sadd.s32 s3, s9;
	s6 =	sadd.s32 @!p0 $0x88, s6;
	s7 =	simm.s32 @p2 $0x1082  }
0x22: {  	[simem:s7], [sflag:s8] =	dma.local @!p0 [hbm:s6], $0xF7A  }
0x23: {  	s9 =	sor.u32 $0xD0000000, s2;
	s6 =	simm.s32 $0x108;
	_ =	swait.ge @!p0 [sflag:s8], $0x0  }
0x24: {  	s3 =	sadd.s32 $0x88, s3;
	s6 =	simm.s32 @!p1 $0x1082;
	[sflag:s4] =	ssyncset.s32 $0xFFFFF086  }
0x25: {  	[simem:s6], [sflag:s4] =	dma.local [hbm:s3], $0xF7A  }
0x26: {  	[smem:$0x3F8B] =	sst s1;
	(tag) =	ssettag s2;
	_ =	strace s9  }
0x27: {  	s1 =	sld [smem:$0x3F9B]  }
0x28: {  	s2 =	sld [smem:$0x3F9C]  }
0x29: {  	s4 =	sld [smem:$0x3F9E]  }
0x2a: {  	p0 =	seq.s32 s5, $0x0;
	s5 =	sld [smem:$0x3F9F]  }
0x2b: {  	s6 =	sld [smem:$0x3FA0]  }
0x2c: {  	s7 =	sld [smem:$0x3FA1]  }
0x2d: {  	s3 =	simm.s32 $0x108;
	s8 =	sld [smem:$0x3FA2]  }
0x2e: {  	s3 =	simm.s32 @!p0 $0x1082;
	s9 =	sld [smem:$0x3FA3]  }
0x2f: {  	lr =	sadd.s32 s0, s3;
	s0 =	sld [smem:$0x3F9A]  }
0x30: {  	s3 =	sld [smem:$0x3F9D]  }
0x31: {  	[smem:$0x3FA6] =	sst s10  }
0x32: {  	s10 =	sld [smem:$0x3FA4];
	_ =	sdelay $0x3  }
0x33: {  	p0 =	seq.s32 s10, $0x1;
	s10 =	sld [smem:$0x3FA6];
	_ =	sdelay $0x3  }
0x34: {  	[smem:$0x3FA6] =	sst s10  }
0x35: {  	s10 =	sld [smem:$0x3FA5];
	_ =	sdelay $0x3  }
0x36: {  	p1 =	seq.s32 s10, $0x1;
	s10 =	sld [smem:$0x3FA6];
	_ =	sdelay $0x3  }
0x37: {  	[smem:$0x3FA6] =	sst s10  }
0x38: {  	s10 =	sld [smem:$0x3FA7]  }
0x39: {  	_ = 	snop;
	(pc) =	sbr.ind lr, $3  }
0x3a: {  	_ = 	snop  }
0x3b: {  	_ = 	snop  }
0x3c: {  	p2 =	seq.s32 s10, $0x1;
	s10 =	sld [smem:$0x3FA6]  }
0x3d: {  	_ =	shalt  }
0x3e: {  	_ =	shalt  }
0x3f: {  	_ =	shalt  }
0x40: {  	_ =	shalt  }
0x41: {  	_ =	shalt  }
0x42: {  	_ =	shalt  }
0x43: {  	_ =	shalt  }
0x44: {  	_ =	shalt  }
0x45: {  	_ =	shalt  }
0x46: {  	_ =	shalt  }
0x47: {  	_ =	shalt  }
0x48: {  	_ =	shalt  }
0x49: {  	_ =	shalt  }
0x4a: {  	_ =	shalt  }
0x4b: {  	_ =	shalt  }
0x4c: {  	_ =	shalt  }
0x4d: {  	_ =	shalt  }
0x4e: {  	_ =	shalt  }
0x4f: {  	_ =	shalt  }
0x50: {  	_ =	shalt  }
0x51: {  	_ =	shalt  }
0x52: {  	_ =	shalt  }
0x53: {  	_ =	shalt  }
0x54: {  	_ =	shalt  }
0x55: {  	_ =	shalt  }
0x56: {  	_ =	shalt  }
0x57: {  	_ =	shalt  }
0x58: {  	_ =	shalt  }
0x59: {  	_ =	shalt  }
0x5a: {  	_ =	shalt  }
0x5b: {  	_ =	shalt  }
0x5c: {  	_ =	shalt  }
0x5d: {  	_ =	shalt  }
0x5e: {  	_ =	shalt  }
0x5f: {  	_ =	shalt  }
0x60: {  	_ =	shalt  }
0x61: {  	_ =	shalt  }
0x62: {  	_ =	shalt  }
0x63: {  	_ =	shalt  }
0x64: {  	_ =	shalt  }
0x65: {  	_ =	shalt  }
0x66: {  	_ =	shalt  }
0x67: {  	_ =	shalt  }
0x68: {  	_ =	shalt  }
0x69: {  	_ =	shalt  }
0x6a: {  	_ =	shalt  }
0x6b: {  	_ =	shalt  }
0x6c: {  	_ =	shalt  }
0x6d: {  	_ =	shalt  }
0x6e: {  	_ =	shalt  }
0x6f: {  	_ =	shalt  }
0x70: {  	_ =	shalt  }
0x71: {  	_ =	shalt  }
0x72: {  	_ =	shalt  }
0x73: {  	_ =	shalt  }
0x74: {  	_ =	shalt  }
0x75: {  	_ =	shalt  }
0x76: {  	_ =	shalt  }
0x77: {  	_ =	shalt  }
0x78: {  	_ =	shalt  }
0x79: {  	_ =	shalt  }
0x7a: {  	_ =	shalt  }
0x7b: {  	_ =	shalt  }
0x7c: {  	_ =	shalt  }
0x7d: {  	_ =	shalt  }
0x7e: {  	_ =	shalt  }
0x7f: {  	_ =	shalt  }
0x80: {  	_ =	shalt  }
0x81: {  	_ =	shalt  }
0x82: {  	_ =	shalt  }
0x83: {  	_ =	shalt  }
0x84: {  	_ =	shalt  }
0x85: {  	_ =	shalt  }
0x86: {  	_ =	shalt  }
0x87: {  	_ =	shalt  }
.Lfunc_end0:
.L_simem_size_0:
called_computation_lowered:
.L_overlay_start_0:
0x88: {  	s2 =	sld [smem:$0x3FD9]  }
0x89: {  	s3 =	sld [smem:$0x3FFE];
	_ =	sdelay $0x1  }
0x8a: {  	s1 =	srdreg.scid  }
0x8b: {  	s0 =	sand.u32 $0x1, s1  }
0x8c: {  	s16 =	sshll.u32 s0, $0xA;
	s2 =	sadd.s32 s3, s2  }
0x8d: {  	s2 =	sadd.s32 s2, s16  }
0x8e: {  	[smem:$0x3FB2] =	sst s2  }
0x8f: {  	_ = 	snop  }
0x90: {  	(tm) =	ssettm $0x1  }
0x91: {  	s17 =	sld [smem:$0x3FFB];
	_ =	sdelay $0x3  }
0x92: {  	_ =	strace s17  }
0x93: {  	s2 =	sld [smem:$0x3FFC];
	_ =	sdelay $0x3  }
0x94: {  	_ =	strace s2  }
0x95: {  	s2 =	sld [smem:$0x3FFD];
	_ =	sdelay $0x3  }
0x96: {  	_ =	strace s2  }
0x97: {  	_ =	strace $0x8FFFFFFF  }
0x98: {  	s18 =	sld [smem:$0x3FDB];
	_ =	sdelay $0x1  }
0x99: {  	s19 =	simm.s32 $_scs_section_size  }
0x9a: {  	s4 =	simm.s32 $_size__tile_overlayer_lowered;
	s5 =	simm.s32 $_tile_overlayer_lowered  }
0x9b: {  	s22 =	simm.s32 $0x1BFF;
	s21 =	sshll.u32 s5, $0x1;
	s2 =	sadd.s32 s19, s18  }
0x9c: {  	s6 =	simm.s32 $0x0;
	s20 =	sshll.u32 s4, $0x1;
	s4 =	sadd.s32 s21, s2  }
0x9d: {  	[timem:s6], [sflag:s22] =	dma.local [hbm:s4], s20  }
0x9e: {  	_ =	swait.ge [sflag:s22], s20  }
0x9f: {  	s3 =	ssub.s32 $0x0, s20;
	[sflag:s22] =	ssyncset.done $0x0  }
0xa0: {  	[sflag:s22] =	ssyncadd.s32 s3;
	_ =	sdelay $0x1  }
0xa1: {  	s23 =	simm.s32 $0x1B8B  }
0xa2: {  	_ =	swait.ge [sflag:s23], $0x1  }
0xa3: {  	[sflag:s23] =	ssyncset.done $0x0  }
0xa4: {  	s25 =	simm.s32 $0x1B8E;
	s24 =	sld [smem:$0x3FFE];
	[sflag:s23] =	ssyncadd.s32 $0xFFFFFFFF  }
0xa5: {  	s26 =	simm.s32 $execute0_lowered;
	[smem:$0x3FD2] =	sst s25  }
0xa6: {  	s4 =	sshll.u32 s26, $0x1;
	_ =	strace $0x80000046;
	[dreg:$0x1] =	wrdreg $0xFFFFFFFF  }
0xa7: {  	s28 =	simm.s32 $_size_execute0_lowered;
	s2 =	sadd.s32 s2, s4;
	[dreg:$0x0] =	wrdreg $0x0  }
0xa8: {  	s4 =	sshll.u32 s28, $0x1;
	[dreg:$0x2] =	wrdreg s2  }
0xa9: {  	[dreg:$0x3] =	wrdreg s4  }
0xaa: {  	[dreg:$0x4] =	wrdreg $0xC0  }
0xab: {  	_ =	task [dreg:s6], $0x5FFFF  }
0xac: {  	[dreg:$0x1] =	wrdreg $0xFFFFFFFF  }
0xad: {  	[dreg:$0x0] =	wrdreg $0x60  }
0xae: {  	[dreg:$0x2] =	wrdreg s24  }
0xaf: {  	[dreg:$0x3] =	wrdreg $0x9  }
0xb0: {  	_ =	task.clear_ibuf [dreg:s6], $0x4FFFF;
	_ =	strace $0x90000046  }
0xb1: {  	s29 =	simm.s32 $0x9;
	_ =	strace $0x80000048  }
0xb2: {  	_ =	swait.ge [sflag:s29], $0x1  }
0xb3: {  	[sflag:s29] =	ssyncadd.s32 $0xFFFFFFFF  }
0xb4: {  	_ =	strace $0x90000048  }
0xb5: {  	_ =	sfence  }
0xb6: {  	s30 =	sld [smem:$0x0];
	_ =	sdelay $0x2  }
0xb7: {  	s31 =	sshll.u32 s1, $0xD;
	s1 =	sshrl.u32 s1, $0x2  }
0xb8: {  	s3 =	sand.u32 $0x4000, s31;
	s1 =	sadd.s32 s1, s30  }
0xb9: {  	s0 =	sor.u32 s3, s0;
	s1 =	sshll.u32 s1, $0x11  }
0xba: {  	s0 =	sor.u32 s1, s0  }
0xbb: {  	s0 =	sadd.s32 $0x8F2B, s0  }
0xbc: {  	[sflag:s0] =	ssyncadd.remote.s32 $0x1  }
0xbd: {  	_ =	sfence.sel $0xFFFF  }
0xbe: {  	[dreg:$0x0] =	wrdreg $0xFFFFFFFF;
	(pc) =	sbr.abs _section_cstart, $3  }
0xbf: {  	[dreg:$0x1] =	wrdreg $0xFFFFFFFF  }
0xc0: {  	_ =	task.clear_ibuf [dreg:s6], $0x2FFFF;
	_ =	strace $0x9FFFFFFF  }
0xc1: {  	(tm) =	ssettm $0x7FFFFFFF  }
tec
execute0_lowered:
.L_overlay_start_1:
0x0: {  	(tag) =	ssettag $0x1  }
0x1: {  	s0 =	stileid.u32  }
0x2: {  	s1 =	srdreg.scid;
	s4 =	rddreg [dreg:$0x0];
	s2 =	simm.s32 $0x0  }
0x3: {  	s12 =	simm.s32 $0x2710;
	s13 =	simm.s32 $0x4E20;
	s14 =	simm.s32 $0x4F20  }
0x4: {  	s15 =	simm.s32 $0x80;
	s16 =	simm.s32 $0x5020;
	s17 =	simm.s32 $0x4EA0  }
0x5: {  	s18 =	simm.s32 $0x5820;
	s19 =	simm.s32 $0x1;
	s20 =	simm.s32 $0x6020  }
0x6: {  	s21 =	simm.s32 $0x11430;
	s22 =	simm.s32 $0x0;
	s5 =	smul.u32 $0xA00, s0  }
0x7: {  	s6 =	sand.u32 $0x1, s1;
	s1 =	rddreg [dreg:$0x1];
	s8 =	smul.u32 $0x16820, s0  }
0x8: {  	[smem:$0x7FF] =	sst s2;
	s3 =	sadd.s32 $0x2200, s4;
	s7 =	smul.u32 $0x168200, s6  }
0x9: {  	s9 =	sadd.s32 $0x7200, s4;
	s28 =	smul.u32 $0x2710, s6;
	s29 =	ssub.s32 $0x2, s6  }
0xa: {  	_ =	strace $0x80000047;
	s6 =	smul.u32 $0x4E2, s6;
	s30 =	sshrl.u32 s29, $0x1  }
0xb: {  	s10 =	sadd.s32 s5, s4;
	s26 =	sadd.s32 s8, s7;
	s8 =	ssub.s32 s29, s30  }
0xc: {  	s31 =	sshrl.u32 s28, $0x3;
	s5 =	sshrl.u32 s26, $0x3;
	s8 =	smax.u32 s8, $0x1  }
0xd: {  	s11 =	sadd.s32 s5, s4;
	s4 =	sadd.s32 s9, s6;
	s5 =	sadd.s32 s9, s31  }
0xe: {  	s9 =	sadd.s32 $0x8600, s10;
	s10 =	sadd.s32 $0x12600, s10;
	s5 =	sadd.s32 $0x9C4, s5  }
0xf: {  	v0 =	vimm.f32 $0.0e+00;
	s6 =	sadd.s32 $0x1C600, s11;
	s7 =	sadd.s32 $0x1DC82, s11;
	s11 =	simm.s32 $0x2  }
.LBB2_1:
0x10: {  	[tilespmem:s2], [sflag:$0x2] =	stream.linear.gather [hbm4b:s4+s2], $0x2710, $0x38;
	[tilespmem:$0x1C840] =	vst v63  }
0x11: {  	_ =	swait.ge [sflag:s11], $0x2710  }
0x12: {  	[sflag:s11] =	ssyncset.done $0x0  }
0x13: {  	[sflag:s11] =	ssyncadd.s32 $0xFFFFD8F0  }
0x14: {  	[tilespmem:s12], [sflag:$0x2] =	stream.linear.gather [hbm4b:s5+s2], $0x2710, $0x38;
	[tilespmem:$0x1C840] =	vst v63  }
0x15: {  	_ =	swait.ge [sflag:s11], $0x2710  }
0x16: {  	[sflag:s11] =	ssyncset.done $0x0  }
0x17: {  	s23 =	simm.s32 $0x0;
	[sflag:s11] =	ssyncadd.s32 $0xFFFFD8F0  }
.LBB2_2:
0x18: {  	p0 =	sne.s32 s23, $0x2D000  }
.Ltmp0:
0x19: {  	_ = 	snop;
	(pc) =	sbr.rel @p0 .LBB2_2-.Ltmp0, $4  }
0x1a: {  	_ = 	snop  }
0x1b: {  	s24 =	sshra.s32 s23, $0x2  }
0x1c: {  	[tilespmem:s24+$0x6020] =	vst v0  }
0x1d: {  	s23 =	sadd.s32 $0x40, s23;
	[tilespmem:s24+$0x11430] =	vst v0  }
0x1e: {  	s23 =	sadd.s32 $0x0, s10  }
0x1f: {  	[tilespmem:s13], [sflag:$0x2] =	stream.linear.gather [hbm4b:s23+s2], $0x100, $0x38;
	[tilespmem:$0x1C840] =	vst v63  }
0x20: {  	_ =	swait.ge [sflag:s11], $0x100  }
0x21: {  	[sflag:s11] =	ssyncset.done $0x0  }
0x22: {  	s31 =	sadd.s32 $0x0, s9;
	[sflag:s11] =	ssyncadd.s32 $0xFFFFFF00  }
0x23: {  	[tilespmem:s14], [sflag:$0x2] =	stream.linear.gather [hbm4b:s31+s2], $0x100, $0x38;
	[tilespmem:$0x1C840] =	vst v63  }
0x24: {  	_ =	swait.ge [sflag:s11], $0x100  }
0x25: {  	[sflag:s11] =	ssyncset.done $0x0  }
0x26: {  	[sflag:s11] =	ssyncadd.s32 $0xFFFFFF00  }
0x27: {  	[tilespmem:s16], [sflag:$0x1] =	stream.indirect.gather [hbm4b:s3+s15], $0x10, s13, s15, $0xb8;
	[tilespmem:$0x1C840] =	vst v63  }
0x28: {  	_ = 	snop  }
0x29: {  	[tilespmem:s18], [sflag:$0x1] =	stream.indirect.gather [hbm4b:s3+s15], $0x10, s17, s15, $0xb8;
	[tilespmem:$0x1C840] =	vst v63  }
0x2a: {  	_ =	swait.ge [sflag:s19], $0x800  }
0x2b: {  	[sflag:s19] =	ssyncset.done $0x0  }
0x2c: {  	[sflag:s19] =	ssyncadd.s32 $0xFFFFF800  }
0x2d: {  	_ =	swait.ge [sflag:s19], $0x800  }
0x2e: {  	s24 =	simm.s32 $0x40;
	s23 =	simm.s32 $0x20;
	[sflag:s19] =	ssyncset.done $0x0  }
.LBB2_4:
0x2f: {  	s25 =	sadd.s32 s23, s10  }
0x30: {  	[sflag:s19] =	ssyncadd.s32 $0xFFFFF800;
	s26 =	smov.u32 s24;
	s28 =	sadd.s32 $0x20, s24  }
0x31: {  	[tilespmem:s13], [sflag:$0x2] =	stream.linear.gather [hbm4b:s25+s2], $0x100, $0x38;
	[tilespmem:$0x1C840] =	vst v63  }
0x32: {  	p0 =	sne.s32 s24, $0x9E0;
	_ =	swait.ge [sflag:s11], $0x100  }
0x33: {  	[sflag:s11] =	ssyncset.done $0x0  }
0x34: {  	s24 =	sadd.s32 s23, s9;
	s23 =	smov.u32 s26;
	[sflag:s11] =	ssyncadd.s32 $0xFFFFFF00  }
0x35: {  	[tilespmem:s14], [sflag:$0x2] =	stream.linear.gather [hbm4b:s24+s2], $0x100, $0x38;
	[tilespmem:$0x1C840] =	vst v63  }
0x36: {  	_ =	swait.ge [sflag:s11], $0x100  }
0x37: {  	[sflag:s11] =	ssyncset.done $0x0  }
0x38: {  	[sflag:s11] =	ssyncadd.s32 $0xFFFFFF00  }
0x39: {  	[tilespmem:s16], [sflag:$0x1] =	stream.indirect.gather [hbm4b:s3+s15], $0x10, s13, s15, $0xb8;
	[tilespmem:$0x1C840] =	vst v63  }
0x3a: {  	_ = 	snop  }
0x3b: {  	[tilespmem:s18], [sflag:$0x1] =	stream.indirect.gather [hbm4b:s3+s15], $0x10, s17, s15, $0xb8;
	[tilespmem:$0x1C840] =	vst v63  }
.Ltmp1:
0x3c: {  	_ =	swait.ge [sflag:s19], $0x800;
	(pc) =	sbr.rel @p0 .LBB2_4-.Ltmp1, $4  }
0x3d: {  	[sflag:s19] =	ssyncset.done $0x0  }
0x3e: {  	[sflag:s19] =	ssyncadd.s32 $0xFFFFF800  }
0x3f: {  	_ =	swait.ge [sflag:s19], $0x800  }
0x40: {  	s24 =	smov.u32 s28;
	[sflag:s19] =	ssyncset.done $0x0  }
0x41: {  	s24 =	sadd.s32 s23, s10;
	[sflag:s19] =	ssyncadd.s32 $0xFFFFF800  }
0x42: {  	[tilespmem:s13], [sflag:$0x2] =	stream.linear.gather [hbm4b:s24+s2], $0x100, $0x38;
	[tilespmem:$0x1C840] =	vst v63  }
0x43: {  	_ =	swait.ge [sflag:s11], $0x100  }
0x44: {  	[sflag:s11] =	ssyncset.done $0x0  }
0x45: {  	s31 =	sadd.s32 s23, s9;
	[sflag:s11] =	ssyncadd.s32 $0xFFFFFF00  }
0x46: {  	[tilespmem:s14], [sflag:$0x2] =	stream.linear.gather [hbm4b:s31+s2], $0x100, $0x38;
	[tilespmem:$0x1C840] =	vst v63  }
0x47: {  	_ =	swait.ge [sflag:s11], $0x100  }
0x48: {  	[sflag:s11] =	ssyncset.done $0x0  }
0x49: {  	[sflag:s11] =	ssyncadd.s32 $0xFFFFFF00  }
0x4a: {  	[tilespmem:s16], [sflag:$0x1] =	stream.indirect.gather [hbm4b:s3+s15], $0x10, s13, s15, $0xb8;
	[tilespmem:$0x1C840] =	vst v63  }
0x4b: {  	_ = 	snop  }
0x4c: {  	[tilespmem:s18], [sflag:$0x1] =	stream.indirect.gather [hbm4b:s3+s15], $0x10, s17, s15, $0xb8;
	[tilespmem:$0x1C840] =	vst v63  }
0x4d: {  	_ =	swait.ge [sflag:s19], $0x800  }
0x4e: {  	[sflag:s19] =	ssyncset.done $0x0  }
0x4f: {  	[sflag:s19] =	ssyncadd.s32 $0xFFFFF800  }
0x50: {  	_ =	swait.ge [sflag:s19], $0x800  }
0x51: {  	[sflag:s19] =	ssyncset.done $0x0  }
0x52: {  	[sflag:s19] =	ssyncadd.s32 $0xFFFFF800  }
0x53: {  	[hbm4b:s6+s2] =	stream.linear.scatter [tilespmem:s20], [sflag:$0x2], $0xB410, $0x38;
	[tilespmem:$0x1C840] =	vst v63  }
0x54: {  	s22 =	sadd.s32 $0x1, s22;
	_ =	swait.ge [sflag:s11], $0xB410  }
0x55: {  	p0 =	sne.s32 s22, s8;
	[sflag:s11] =	ssyncset.done $0x0  }
.Ltmp2:
0x56: {  	[sflag:s11] =	ssyncadd.s32 $0xFFFF4BF0;
	(pc) =	sbr.rel @p0 .LBB2_1-.Ltmp2, $4  }
0x57: {  	[hbm4b:s7+s2] =	stream.linear.scatter [tilespmem:s21], [sflag:$0x2], $0xB410, $0x38;
	[tilespmem:$0x1C840] =	vst v63  }
0x58: {  	_ =	swait.ge [sflag:s11], $0xB410  }
0x59: {  	[sflag:s11] =	ssyncset.done $0x0  }
0x5a: {  	[sflag:s11] =	ssyncadd.s32 $0xFFFF4BF0  }
0x5b: {  	_ =	sfence.sel $0x180000  }
0x5c: {  	[bflag:$0x0] =	sbarrier.arrive $0xFFFF  }
0x5d: {  	p0 =	sne.s32 s0, $0x0;
	_ =	strace $0x90000047  }
0x5e: {  	s0 =	sadd.s32 @!p0 $0x100000, s1;
	[bflag:$0x2] =	sbarrier.arrive $0xFFFF  }
0x5f: {  	[sflag:s0] =	ssyncadd.tile.s32 @!p0 $0x1;
	_ =	shalt  }
.Lfunc_end2:
_tile_overlayer_lowered:
.L_overlay_start_2:
0x60: {  	(tag) =	ssettag $0x2  }
0x61: {  	s0 =	rddreg [dreg:$0x0];
	s2 =	stileid.u32  }
0x62: {  	s1 =	rddreg [dreg:$0x1];
	p0 =	sne.s32 s2, $0x0  }
0x63: {  	s3 =	rddreg [dreg:$0x2];
	[bflag:$0x3] =	sbarrier.arrive $0xFFFF;
	s2 =	simm.s32 @!p0 $0x1C02  }
0x64: {  	[timem:s3], [sflag:s2] =	dma.local @!p0 [hbm:s0], s1  }
0x65: {  	s0 =	simm.s32 @!p0 $0x2  }
0x66: {  	_ =	swait.ge @!p0 [sflag:s0], s1  }
0x67: {  	s1 =	ssub.s32 @!p0 $0x0, s1;
	[sflag:s0] =	ssyncset.done @!p0 $0x0  }
0x68: {  	[sflag:s0] =	ssyncadd.s32 @!p0 s1  }
0x69: {  	[bflag:$0x3] =	sbarrier.arrive $0xFFFF  }
0x6a: {  	_ =	shalt  }

</sc_bundles>
